<compile_context>
chip_gen: v7x
topology: tpu7x:2x2x1
jax: 0.10.2.dev20260603
libtpu: 0.0.44.dev20260713+nightly
codegen_flags: <defaults>
</compile_context>

<pallas_src>
import functools

import jax
import jax.numpy as jnp
from jax import lax
from jax.experimental import pallas as pl
from jax.experimental.pallas import tpu as pltpu
from jax.experimental.pallas import tpu_sc as plsc


@functools.lru_cache(maxsize=None)
def _make_sc_tgather(B, S, V, DP):
    info = plsc.get_sparse_core_info()
    NC, NS = info.num_cores, info.num_subcores
    NW = NC * NS
    L = 128
    NBT = B // L
    NVJ = DP // L
    NVT = V // 8
    VJ7 = (V - (NVJ - 1) * L) // 8
    n_tasks = S * NVJ * NBT
    assert n_tasks % NW == 0 and B % L == 0 and V % 8 == 0 and DP % L == 0
    t_per_w = n_tasks // NW
    mesh = plsc.VectorSubcoreMesh(core_axis_name="c", subcore_axis_name="s")

    @functools.partial(
        pl.kernel,
        mesh=mesh,
        compiler_params=pltpu.CompilerParams(
            use_tc_tiling_on_sc=True, needs_layout_passes=False),
        out_type=jax.ShapeDtypeStruct((S, NVT, NBT, 8, L), jnp.float32),
        scratch_types=(
            [pltpu.VMEM((t_per_w * L,), jnp.int32)]
            + [pltpu.VMEM((L, L), jnp.float32) for _ in range(2)]
            + [pltpu.VMEM((16, 8, L), jnp.float32) for _ in range(2)]
            + [pltpu.SemaphoreType.DMA, pltpu.SemaphoreType.DMA,
               pltpu.SemaphoreType.DMA, pltpu.SemaphoreType.DMA]
        ),
    )
    def tg_kernel(table8_hbm, idx_hbm, z_hbm, idx_v, src0, src1, dst0, dst1,
                  gs0, gs1, ssA, ssB):
        srcs = (src0, src1)
        dsts = (dst0, dst1)
        gsems = (gs0, gs1)
        wid = lax.axis_index("s") * NC + lax.axis_index("c")
        t0 = wid * t_per_w
        pltpu.sync_copy(idx_hbm.at[pl.ds(t0 * L, t_per_w * L)], idx_v)

        b_idx = [lax.iota(jnp.int32, 16) + 16 * jj for jj in range(8)]

        def start_gather(j, sl):
            pltpu.async_copy(
                table8_hbm.at[idx_v.at[pl.ds(j * L, L)]], srcs[sl], gsems[sl])

        def wait_gather(sl):
            pltpu.make_async_copy(
                table8_hbm.at[idx_v.at[pl.ds(0, L)]], srcs[sl],
                gsems[sl]).wait()

        def task_svb(j):
            t = t0 + j
            s = t // (NVJ * NBT)
            vj = (t // NBT) % NVJ
            bt = t % NBT
            return s, vj, bt

        def transpose(sl, nv):
            src, dst = srcs[sl], dsts[sl]

            def body(v, c):
                vt = v // 8
                vs = v % 8
                vsp = jnp.broadcast_to(v, (16,)).astype(jnp.int32)
                for jj in range(8):
                    vals = plsc.load_gather(src, [b_idx[jj], vsp])
                    dst[vt, vs, pl.ds(jj * 16, 16)] = vals
                return c

            lax.fori_loop(0, nv, body, 0)

        def start_scatter(j, sl):
            s, vj, bt = task_svb(j)

            @pl.when(vj < NVJ - 1)
            def _():
                pltpu.async_copy(
                    dsts[sl].at[pl.ds(0, 16)],
                    z_hbm.at[s, pl.ds(vj * 16, 16), bt], ssA)

            @pl.when(vj == NVJ - 1)
            def _():
                pltpu.async_copy(
                    dsts[sl].at[pl.ds(0, VJ7)],
                    z_hbm.at[s, pl.ds((NVJ - 1) * 16, VJ7), bt], ssB)

        def wait_scatter(j, sl):
            _, vj, _ = task_svb(j)

            @pl.when(vj < NVJ - 1)
            def _():
                pltpu.make_async_copy(
                    dsts[sl].at[pl.ds(0, 16)],
                    z_hbm.at[0, pl.ds(0, 16), 0], ssA).wait()

            @pl.when(vj == NVJ - 1)
            def _():
                pltpu.make_async_copy(
                    dsts[sl].at[pl.ds(0, VJ7)],
                    z_hbm.at[0, pl.ds(0, VJ7), 0], ssB).wait()

        start_gather(0, 0)

        def pair_body(g, carry):
            for b in range(2):
                j = 2 * g + b

                @pl.when(j + 1 < t_per_w)
                def _():
                    start_gather(j + 1, 1 - b)

                wait_gather(b)

                @pl.when(j >= 2)
                def _():
                    wait_scatter(j - 2, b)

                _, vj, _ = task_svb(j)

                @pl.when(vj < NVJ - 1)
                def _():
                    transpose(b, 128)

                @pl.when(vj == NVJ - 1)
                def _():
                    transpose(b, VJ7 * 8)

                start_scatter(j, b)
            return carry

        lax.fori_loop(0, t_per_w // 2, pair_body, 0)
        wait_scatter(t_per_w - 2, 0)
        wait_scatter(t_per_w - 1, 1)

    return tg_kernel


def kernel(contexts, table):
    B, S = contexts.shape
    V, D = table.shape
    DP = (D + 127) // 128 * 128
    table8 = jnp.pad(table, ((0, 0), (0, DP - D))).reshape(V * (DP // 128), 128)
    idx8 = (contexts.astype(jnp.int32).T[:, None, :] * (DP // 128)
            + jnp.arange(DP // 128, dtype=jnp.int32)[None, :, None])
    z = _make_sc_tgather(B, S, D, DP)(table8, idx8.reshape(-1))
    return z.transpose((2, 4, 0, 1, 3)).reshape(B, S, D)

# --- scband reference (transcript-rebuilt; emitter-appended) ---
"""Pipeline reference for scband-bigram-language-model-31069793419646 (READ-ONLY COPY).

The authoritative reference and input builder live on the scoring server;
editing this copy changes nothing except your own understanding.
"""

import jax, jax.numpy as jnp
import numpy as np

VOCAB = 1000
BATCH = 1024
SEQ = 50


def setup_inputs(seed: int = 0) -> dict:
    key = jax.random.key(seed)
    k1, k2 = jax.random.split(key)
    contexts = jax.random.randint(k1, (BATCH, SEQ), 0, VOCAB, dtype=jnp.int64 if jax.config.jax_enable_x64 else jnp.int32)
    # learned parameter: token embedding table of shape [vocab_size, vocab_size]
    table = jax.random.normal(k2, (VOCAB, VOCAB), dtype=jnp.float32)
    return {"contexts": contexts, "table": table}


def reference(contexts, table):
    # BigramLanguageModel.forward with targets=None:
    # logits = self.token_embedding_table(contexts)
    logits = jnp.take(table, contexts, axis=0)  # [B, S, vocab]
    return logits

if __name__ == "__main__":
    import jax
    _d = setup_inputs()
    print(jax.jit(kernel)(*tuple(_d.values())))

</pallas_src>

<mosaic_0001>
#map = affine_map<(d0, d1) -> (0, 0)>
#map1 = affine_map<(d0, d1) -> (0)>
#map2 = affine_map<(d0, d1) -> (0, 0, 0, 0, 0)>
module attributes {stable_mosaic.version = 14 : i64} {
  func.func @tg_kernel(%arg0: i32, %arg1: i32, %arg2: memref<8000x128xf32, #tpu.memory_space<hbm>>, %arg3: memref<409600xi32, #tpu.memory_space<hbm>>, %arg4: memref<50x125x8x8x128xf32, #tpu.memory_space<hbm>>, %arg5: memref<12800xi32, #tpu.memory_space<vmem>>, %arg6: memref<128x128xf32, #tpu.memory_space<vmem>>, %arg7: memref<128x128xf32, #tpu.memory_space<vmem>>, %arg8: memref<16x8x128xf32, #tpu.memory_space<vmem>>, %arg9: memref<16x8x128xf32, #tpu.memory_space<vmem>>, %arg10: memref<!tpu.dma_semaphore, #tpu.memory_space<semaphore_mem>>, %arg11: memref<!tpu.dma_semaphore, #tpu.memory_space<semaphore_mem>>, %arg12: memref<!tpu.dma_semaphore, #tpu.memory_space<semaphore_mem>>, %arg13: memref<!tpu.dma_semaphore, #tpu.memory_space<semaphore_mem>>) attributes {dimension_semantics = [#tpu.dimension_semantics<core_parallel>, #tpu.dimension_semantics<subcore_parallel>], iteration_bounds = array<i64: 2, 16>, scalar_prefetch = 0 : i64, scratch_operands = 9 : i64, tpu.core_type = #tpu.core_type<sc_vector_subcore>, window_params = [{transform_indices = #map}, {transform_indices = #map1}, {transform_indices = #map2}]} {
    %mul3A = arith.constant 2 : i32
    %mul3A_0 = arith.muli %arg1, %mul3A : i32
    %add3A = arith.addi %mul3A_0, %arg0 : i32
    %mul3A_1 = arith.constant 100 : i32
    %mul3A_2 = arith.muli %add3A, %mul3A_1 : i32
    %mul3A_3 = arith.constant 128 : i32
    %mul3A_4 = arith.muli %mul3A_2, %mul3A_3 : i32
    "tpu.region"() ({
      %run_scoped3A = tpu.sem_alloc : memref<!tpu.dma_semaphore, #tpu.memory_space<semaphore_mem>>
      %dma_start3A_217 = tpu.memref_slice %arg3[%mul3A_4] : memref<409600xi32, #tpu.memory_space<hbm>> -> memref<12800xi32, #tpu.memory_space<hbm>>
      %dma_start3A_218 = tpu.memref_slice %arg3[%mul3A_4] : memref<409600xi32, #tpu.memory_space<hbm>> -> memref<12800xi32, #tpu.memory_space<hbm>>
      tpu.enqueue_dma source(%dma_start3A_218 : memref<12800xi32, #tpu.memory_space<hbm>>) target(%arg5 : memref<12800xi32, #tpu.memory_space<vmem>>) target_semaphore(%run_scoped3A : memref<!tpu.dma_semaphore, #tpu.memory_space<semaphore_mem>>)
      %dma_wait3A = tpu.memref_slice %arg3[%mul3A_4] : memref<409600xi32, #tpu.memory_space<hbm>> -> memref<12800xi32, #tpu.memory_space<hbm>>
      %dma_wait3A_219 = tpu.memref_slice %arg3[%mul3A_4] : memref<409600xi32, #tpu.memory_space<hbm>> -> memref<12800xi32, #tpu.memory_space<hbm>>
      tpu.wait_dma2 semaphore(%run_scoped3A : memref<!tpu.dma_semaphore, #tpu.memory_space<semaphore_mem>>) src(%dma_wait3A_219 : memref<12800xi32, #tpu.memory_space<hbm>>) dst(%arg5 : memref<12800xi32, #tpu.memory_space<vmem>>)
      tpu.yield
    }) : () -> ()
    %iota3A = tpu.iota {dimensions = array<i32: 0>} : vector<16xi32>
    %add3A_5 = arith.constant 0 : i32
    %add3A_6 = vector.broadcast %add3A_5 : i32 to vector<16xi32>
    %add3A_7 = arith.addi %iota3A, %add3A_6 : vector<16xi32>
    %iota3A_8 = tpu.iota {dimensions = array<i32: 0>} : vector<16xi32>
    %add3A_9 = arith.constant 16 : i32
    %add3A_10 = vector.broadcast %add3A_9 : i32 to vector<16xi32>
    %add3A_11 = arith.addi %iota3A_8, %add3A_10 : vector<16xi32>
    %iota3A_12 = tpu.iota {dimensions = array<i32: 0>} : vector<16xi32>
    %add3A_13 = arith.constant 32 : i32
    %add3A_14 = vector.broadcast %add3A_13 : i32 to vector<16xi32>
    %add3A_15 = arith.addi %iota3A_12, %add3A_14 : vector<16xi32>
    %iota3A_16 = tpu.iota {dimensions = array<i32: 0>} : vector<16xi32>
    %add3A_17 = arith.constant 48 : i32
    %add3A_18 = vector.broadcast %add3A_17 : i32 to vector<16xi32>
    %add3A_19 = arith.addi %iota3A_16, %add3A_18 : vector<16xi32>
    %iota3A_20 = tpu.iota {dimensions = array<i32: 0>} : vector<16xi32>
    %add3A_21 = arith.constant 64 : i32
    %add3A_22 = vector.broadcast %add3A_21 : i32 to vector<16xi32>
    %add3A_23 = arith.addi %iota3A_20, %add3A_22 : vector<16xi32>
    %iota3A_24 = tpu.iota {dimensions = array<i32: 0>} : vector<16xi32>
    %add3A_25 = arith.constant 80 : i32
    %add3A_26 = vector.broadcast %add3A_25 : i32 to vector<16xi32>
    %add3A_27 = arith.addi %iota3A_24, %add3A_26 : vector<16xi32>
    %iota3A_28 = tpu.iota {dimensions = array<i32: 0>} : vector<16xi32>
    %add3A_29 = arith.constant 96 : i32
    %add3A_30 = vector.broadcast %add3A_29 : i32 to vector<16xi32>
    %add3A_31 = arith.addi %iota3A_28, %add3A_30 : vector<16xi32>
    %iota3A_32 = tpu.iota {dimensions = array<i32: 0>} : vector<16xi32>
    %add3A_33 = arith.constant 112 : i32
    %add3A_34 = vector.broadcast %add3A_33 : i32 to vector<16xi32>
    %add3A_35 = arith.addi %iota3A_32, %add3A_34 : vector<16xi32>
    %dma_start3A = arith.constant 0 : i32
    %dma_start3A_36 = tpu.memref_slice %arg5[%dma_start3A] : memref<12800xi32, #tpu.memory_space<vmem>> -> memref<128xi32, #tpu.memory_space<vmem>>
    %dma_start3A_37 = arith.constant 0 : i32
    %dma_start3A_38 = arith.constant 0 : i32
    %dma_start3A_39 = tpu.memref_slice %arg2[%dma_start3A_37, %dma_start3A_38] : memref<8000x128xf32, #tpu.memory_space<hbm>> -> memref<8000x128xf32, #tpu.memory_space<hbm>>
    tpu.enqueue_indirect_dma source(%dma_start3A_39 : memref<8000x128xf32, #tpu.memory_space<hbm>>) target(%arg6 : memref<128x128xf32, #tpu.memory_space<vmem>>) offsets(%dma_start3A_36 : memref<128xi32, #tpu.memory_space<vmem>>) semaphore(%arg10 : memref<!tpu.dma_semaphore, #tpu.memory_space<semaphore_mem>>)
    %scan3A = arith.constant 0 : i32
    %scan3A_40 = arith.constant 0 : i32
    %scan3A_41 = arith.constant 50 : i32
    %scan3A_42 = arith.addi %scan3A_40, %scan3A_41 : i32
    %scan3A_43 = arith.constant 1 : i32
    scf.for %scan3A_217 = %scan3A_40 to %scan3A_42 step %scan3A_43  : i32 {
      %mul3A_218 = arith.constant 2 : i32
      %mul3A_219 = arith.muli %mul3A_218, %scan3A_217 : i32
      %add3A_220 = arith.constant 0 : i32
      %add3A_221 = arith.addi %mul3A_219, %add3A_220 : i32
      %add3A_222 = arith.constant 1 : i32
      %add3A_223 = arith.addi %add3A_221, %add3A_222 : i32
      %lt3A_224 = arith.constant 100 : i32
      %lt3A_225 = arith.cmpi slt, %add3A_223, %lt3A_224 : i32
      %convert_element_type3A_226 = arith.extui %lt3A_225 : i1 to i32
      %cond3A_227 = arith.constant 0 : i32
      %cond3A_228 = arith.cmpi ne, %convert_element_type3A_226, %cond3A_227 : i32
      scf.if %cond3A_228 {
        %add3A_622 = arith.constant 1 : i32
        %add3A_623 = arith.addi %add3A_221, %add3A_622 : i32
        %mul3A_624 = arith.constant 128 : i32
        %mul3A_625 = arith.muli %add3A_623, %mul3A_624 : i32
        %dma_start3A_626 = tpu.memref_slice %arg5[%mul3A_625] : memref<12800xi32, #tpu.memory_space<vmem>> -> memref<128xi32, #tpu.memory_space<vmem>>
        %dma_start3A_627 = arith.constant 0 : i32
        %dma_start3A_628 = arith.constant 0 : i32
        %dma_start3A_629 = tpu.memref_slice %arg2[%dma_start3A_627, %dma_start3A_628] : memref<8000x128xf32, #tpu.memory_space<hbm>> -> memref<8000x128xf32, #tpu.memory_space<hbm>>
        tpu.enqueue_indirect_dma source(%dma_start3A_629 : memref<8000x128xf32, #tpu.memory_space<hbm>>) target(%arg7 : memref<128x128xf32, #tpu.memory_space<vmem>>) offsets(%dma_start3A_626 : memref<128xi32, #tpu.memory_space<vmem>>) semaphore(%arg11 : memref<!tpu.dma_semaphore, #tpu.memory_space<semaphore_mem>>)
      } else {
      }
      %dma_wait3A = arith.constant 0 : i32
      %dma_wait3A_229 = tpu.memref_slice %arg5[%dma_wait3A] : memref<12800xi32, #tpu.memory_space<vmem>> -> memref<128xi32, #tpu.memory_space<vmem>>
      %dma_wait3A_230 = arith.constant 0 : i32
      %dma_wait3A_231 = arith.constant 0 : i32
      %dma_wait3A_232 = tpu.memref_slice %arg2[%dma_wait3A_230, %dma_wait3A_231] : memref<8000x128xf32, #tpu.memory_space<hbm>> -> memref<8000x128xf32, #tpu.memory_space<hbm>>
      tpu.wait_indirect_dma semaphore(%arg10 : memref<!tpu.dma_semaphore, #tpu.memory_space<semaphore_mem>>) src(%dma_wait3A_232 : memref<8000x128xf32, #tpu.memory_space<hbm>>) dst(%arg6 : memref<128x128xf32, #tpu.memory_space<vmem>>)
      %ge3A = arith.constant 2 : i32
      %ge3A_233 = arith.cmpi sge, %add3A_221, %ge3A : i32
      %convert_element_type3A_234 = arith.extui %ge3A_233 : i1 to i32
      %cond3A_235 = arith.constant 0 : i32
      %cond3A_236 = arith.cmpi ne, %convert_element_type3A_234, %cond3A_235 : i32
      scf.if %cond3A_236 {
        %sub3A_622 = arith.constant 2 : i32
        %sub3A_623 = arith.subi %add3A_221, %sub3A_622 : i32
        %add3A_624 = arith.addi %mul3A_2, %sub3A_623 : i32
        %jit3A_625 = arith.constant 64 : i32
        %div3A_626 = arith.divsi %add3A_624, %jit3A_625 : i32
        %sign3A_627 = arith.constant 0 : i32
        %sign3A_628 = arith.cmpi sgt, %add3A_624, %sign3A_627 : i32
        %sign3A_629 = arith.extui %sign3A_628 : i1 to i32
        %sign3A_630 = arith.constant 0 : i32
        %sign3A_631 = arith.cmpi slt, %add3A_624, %sign3A_630 : i32
        %sign3A_632 = arith.extui %sign3A_631 : i1 to i32
        %sign3A_633 = arith.subi %sign3A_629, %sign3A_632 : i32
        %sign3A_634 = arith.constant 0 : i32
        %sign3A_635 = arith.cmpi sgt, %jit3A_625, %sign3A_634 : i32
        %sign3A_636 = arith.extui %sign3A_635 : i1 to i32
        %sign3A_637 = arith.constant 0 : i32
        %sign3A_638 = arith.cmpi slt, %jit3A_625, %sign3A_637 : i32
        %sign3A_639 = arith.extui %sign3A_638 : i1 to i32
        %sign3A_640 = arith.subi %sign3A_636, %sign3A_639 : i32
        %ne3A_641 = arith.cmpi ne, %sign3A_633, %sign3A_640 : i32
        %rem3A_642 = arith.remsi %add3A_624, %jit3A_625 : i32
        %ne3A_643 = arith.constant 0 : i32
        %ne3A_644 = arith.cmpi ne, %rem3A_642, %ne3A_643 : i32
        %and3A_645 = arith.andi %ne3A_641, %ne3A_644 : i1
        %sub3A_646 = arith.constant 1 : i32
        %sub3A_647 = arith.subi %div3A_626, %sub3A_646 : i32
        %select_n3A_648 = arith.select %and3A_645, %sub3A_647, %div3A_626 : i32
        %jit3A_649 = arith.constant 8 : i32
        %div3A_650 = arith.divsi %add3A_624, %jit3A_649 : i32
        %sign3A_651 = arith.constant 0 : i32
        %sign3A_652 = arith.cmpi sgt, %add3A_624, %sign3A_651 : i32
        %sign3A_653 = arith.extui %sign3A_652 : i1 to i32
        %sign3A_654 = arith.constant 0 : i32
        %sign3A_655 = arith.cmpi slt, %add3A_624, %sign3A_654 : i32
        %sign3A_656 = arith.extui %sign3A_655 : i1 to i32
        %sign3A_657 = arith.subi %sign3A_653, %sign3A_656 : i32
        %sign3A_658 = arith.constant 0 : i32
        %sign3A_659 = arith.cmpi sgt, %jit3A_649, %sign3A_658 : i32
        %sign3A_660 = arith.extui %sign3A_659 : i1 to i32
        %sign3A_661 = arith.constant 0 : i32
        %sign3A_662 = arith.cmpi slt, %jit3A_649, %sign3A_661 : i32
        %sign3A_663 = arith.extui %sign3A_662 : i1 to i32
        %sign3A_664 = arith.subi %sign3A_660, %sign3A_663 : i32
        %ne3A_665 = arith.cmpi ne, %sign3A_657, %sign3A_664 : i32
        %rem3A_666 = arith.remsi %add3A_624, %jit3A_649 : i32
        %ne3A_667 = arith.constant 0 : i32
        %ne3A_668 = arith.cmpi ne, %rem3A_666, %ne3A_667 : i32
        %and3A_669 = arith.andi %ne3A_665, %ne3A_668 : i1
        %sub3A_670 = arith.constant 1 : i32
        %sub3A_671 = arith.subi %div3A_650, %sub3A_670 : i32
        %select_n3A_672 = arith.select %and3A_669, %sub3A_671, %div3A_650 : i32
        %jit3A_673 = arith.constant 8 : i32
        %eq3A_674 = arith.constant 0 : i32
        %eq3A_675 = arith.cmpi eq, %jit3A_673, %eq3A_674 : i32
        %jit3A_676 = arith.constant 1 : i32
        %select_n3A_677 = arith.select %eq3A_675, %jit3A_676, %jit3A_673 : i32
        %rem3A_678 = arith.remsi %select_n3A_672, %select_n3A_677 : i32
        %ne3A_679 = arith.constant 0 : i32
        %ne3A_680 = arith.cmpi ne, %rem3A_678, %ne3A_679 : i32
        %lt3A_681 = arith.constant 0 : i32
        %lt3A_682 = arith.cmpi slt, %rem3A_678, %lt3A_681 : i32
        %lt3A_683 = arith.constant 0 : i32
        %lt3A_684 = arith.cmpi slt, %select_n3A_677, %lt3A_683 : i32
        %ne3A_685 = arith.xori %lt3A_682, %lt3A_684 : i1
        %and3A_686 = arith.andi %ne3A_685, %ne3A_680 : i1
        %add3A_687 = arith.addi %rem3A_678, %select_n3A_677 : i32
        %select_n3A_688 = arith.select %and3A_686, %add3A_687, %rem3A_678 : i32
        %jit3A_689 = arith.constant 8 : i32
        %eq3A_690 = arith.constant 0 : i32
        %eq3A_691 = arith.cmpi eq, %jit3A_689, %eq3A_690 : i32
        %jit3A_692 = arith.constant 1 : i32
        %select_n3A_693 = arith.select %eq3A_691, %jit3A_692, %jit3A_689 : i32
        %rem3A_694 = arith.remsi %add3A_624, %select_n3A_693 : i32
        %ne3A_695 = arith.constant 0 : i32
        %ne3A_696 = arith.cmpi ne, %rem3A_694, %ne3A_695 : i32
        %lt3A_697 = arith.constant 0 : i32
        %lt3A_698 = arith.cmpi slt, %rem3A_694, %lt3A_697 : i32
        %lt3A_699 = arith.constant 0 : i32
        %lt3A_700 = arith.cmpi slt, %select_n3A_693, %lt3A_699 : i32
        %ne3A_701 = arith.xori %lt3A_698, %lt3A_700 : i1
        %and3A_702 = arith.andi %ne3A_701, %ne3A_696 : i1
        %add3A_703 = arith.addi %rem3A_694, %select_n3A_693 : i32
        %select_n3A_704 = arith.select %and3A_702, %add3A_703, %rem3A_694 : i32
        %lt3A_705 = arith.constant 7 : i32
        %lt3A_706 = arith.cmpi slt, %select_n3A_688, %lt3A_705 : i32
        %convert_element_type3A_707 = arith.extui %lt3A_706 : i1 to i32
        %cond3A_708 = arith.constant 0 : i32
        %cond3A_709 = arith.cmpi ne, %convert_element_type3A_707, %cond3A_708 : i32
        scf.if %cond3A_709 {
          %dma_wait3A_715 = arith.constant 0 : i32
          %dma_wait3A_716 = arith.constant 0 : i32
          %dma_wait3A_717 = arith.constant 0 : i32
          %dma_wait3A_718 = arith.constant 0 : i32
          %dma_wait3A_719 = arith.constant 0 : i32
          %dma_wait3A_720 = tpu.memref_slice %arg8[%dma_wait3A_717, %dma_wait3A_718, %dma_wait3A_719] : memref<16x8x128xf32, #tpu.memory_space<vmem>> -> memref<16x8x128xf32, #tpu.memory_space<vmem>>
          %dma_wait3A_721 = arith.constant 0 : i32
          %dma_wait3A_722 = arith.constant 0 : i32
          %dma_wait3A_723 = arith.constant 0 : i32
          %dma_wait3A_724 = tpu.memref_slice %arg4[%dma_wait3A_715, %dma_wait3A_721, %dma_wait3A_716, %dma_wait3A_722, %dma_wait3A_723] : memref<50x125x8x8x128xf32, #tpu.memory_space<hbm>> -> memref<1x16x1x8x128xf32, #tpu.memory_space<hbm>>
          %dma_wait3A_725 = tpu.memref_squeeze %dma_wait3A_724 : memref<1x16x1x8x128xf32, #tpu.memory_space<hbm>> -> memref<16x8x128xf32, #tpu.memory_space<hbm>>
          %dma_wait3A_726 = arith.constant 0 : i32
          %dma_wait3A_727 = arith.constant 0 : i32
          %dma_wait3A_728 = arith.constant 0 : i32
          %dma_wait3A_729 = tpu.memref_slice %arg4[%dma_wait3A_715, %dma_wait3A_726, %dma_wait3A_716, %dma_wait3A_727, %dma_wait3A_728] : memref<50x125x8x8x128xf32, #tpu.memory_space<hbm>> -> memref<1x16x1x8x128xf32, #tpu.memory_space<hbm>>
          %dma_wait3A_730 = tpu.memref_squeeze %dma_wait3A_729 : memref<1x16x1x8x128xf32, #tpu.memory_space<hbm>> -> memref<16x8x128xf32, #tpu.memory_space<hbm>>
          %dma_wait3A_731 = arith.constant 0 : i32
          %dma_wait3A_732 = arith.constant 0 : i32
          %dma_wait3A_733 = arith.constant 0 : i32
          %dma_wait3A_734 = tpu.memref_slice %arg8[%dma_wait3A_731, %dma_wait3A_732, %dma_wait3A_733] : memref<16x8x128xf32, #tpu.memory_space<vmem>> -> memref<16x8x128xf32, #tpu.memory_space<vmem>>
          tpu.wait_dma2 semaphore(%arg12 : memref<!tpu.dma_semaphore, #tpu.memory_space<semaphore_mem>>) src(%dma_wait3A_734 : memref<16x8x128xf32, #tpu.memory_space<vmem>>) dst(%dma_wait3A_730 : memref<16x8x128xf32, #tpu.memory_space<hbm>>)
        } else {
        }
        %eq3A_710 = arith.constant 7 : i32
        %eq3A_711 = arith.cmpi eq, %select_n3A_688, %eq3A_710 : i32
        %convert_element_type3A_712 = arith.extui %eq3A_711 : i1 to i32
        %cond3A_713 = arith.constant 0 : i32
        %cond3A_714 = arith.cmpi ne, %convert_element_type3A_712, %cond3A_713 : i32
        scf.if %cond3A_714 {
          %dma_wait3A_715 = arith.constant 0 : i32
          %dma_wait3A_716 = arith.constant 0 : i32
          %dma_wait3A_717 = arith.constant 0 : i32
          %dma_wait3A_718 = arith.constant 0 : i32
          %dma_wait3A_719 = arith.constant 0 : i32
          %dma_wait3A_720 = tpu.memref_slice %arg8[%dma_wait3A_717, %dma_wait3A_718, %dma_wait3A_719] : memref<16x8x128xf32, #tpu.memory_space<vmem>> -> memref<13x8x128xf32, #tpu.memory_space<vmem>>
          %dma_wait3A_721 = arith.constant 0 : i32
          %dma_wait3A_722 = arith.constant 0 : i32
          %dma_wait3A_723 = arith.constant 0 : i32
          %dma_wait3A_724 = tpu.memref_slice %arg4[%dma_wait3A_715, %dma_wait3A_721, %dma_wait3A_716, %dma_wait3A_722, %dma_wait3A_723] : memref<50x125x8x8x128xf32, #tpu.memory_space<hbm>> -> memref<1x13x1x8x128xf32, #tpu.memory_space<hbm>>
          %dma_wait3A_725 = tpu.memref_squeeze %dma_wait3A_724 : memref<1x13x1x8x128xf32, #tpu.memory_space<hbm>> -> memref<13x8x128xf32, #tpu.memory_space<hbm>>
          %dma_wait3A_726 = arith.constant 0 : i32
          %dma_wait3A_727 = arith.constant 0 : i32
          %dma_wait3A_728 = arith.constant 0 : i32
          %dma_wait3A_729 = tpu.memref_slice %arg4[%dma_wait3A_715, %dma_wait3A_726, %dma_wait3A_716, %dma_wait3A_727, %dma_wait3A_728] : memref<50x125x8x8x128xf32, #tpu.memory_space<hbm>> -> memref<1x13x1x8x128xf32, #tpu.memory_space<hbm>>
          %dma_wait3A_730 = tpu.memref_squeeze %dma_wait3A_729 : memref<1x13x1x8x128xf32, #tpu.memory_space<hbm>> -> memref<13x8x128xf32, #tpu.memory_space<hbm>>
          %dma_wait3A_731 = arith.constant 0 : i32
          %dma_wait3A_732 = arith.constant 0 : i32
          %dma_wait3A_733 = arith.constant 0 : i32
          %dma_wait3A_734 = tpu.memref_slice %arg8[%dma_wait3A_731, %dma_wait3A_732, %dma_wait3A_733] : memref<16x8x128xf32, #tpu.memory_space<vmem>> -> memref<13x8x128xf32, #tpu.memory_space<vmem>>
          tpu.wait_dma2 semaphore(%arg13 : memref<!tpu.dma_semaphore, #tpu.memory_space<semaphore_mem>>) src(%dma_wait3A_734 : memref<13x8x128xf32, #tpu.memory_space<vmem>>) dst(%dma_wait3A_730 : memref<13x8x128xf32, #tpu.memory_space<hbm>>)
        } else {
        }
      } else {
      }
      %add3A_237 = arith.addi %mul3A_2, %add3A_221 : i32
      %jit3A_238 = arith.constant 64 : i32
      %div3A_239 = arith.divsi %add3A_237, %jit3A_238 : i32
      %sign3A_240 = arith.constant 0 : i32
      %sign3A_241 = arith.cmpi sgt, %add3A_237, %sign3A_240 : i32
      %sign3A_242 = arith.extui %sign3A_241 : i1 to i32
      %sign3A_243 = arith.constant 0 : i32
      %sign3A_244 = arith.cmpi slt, %add3A_237, %sign3A_243 : i32
      %sign3A_245 = arith.extui %sign3A_244 : i1 to i32
      %sign3A_246 = arith.subi %sign3A_242, %sign3A_245 : i32
      %sign3A_247 = arith.constant 0 : i32
      %sign3A_248 = arith.cmpi sgt, %jit3A_238, %sign3A_247 : i32
      %sign3A_249 = arith.extui %sign3A_248 : i1 to i32
      %sign3A_250 = arith.constant 0 : i32
      %sign3A_251 = arith.cmpi slt, %jit3A_238, %sign3A_250 : i32
      %sign3A_252 = arith.extui %sign3A_251 : i1 to i32
      %sign3A_253 = arith.subi %sign3A_249, %sign3A_252 : i32
      %ne3A_254 = arith.cmpi ne, %sign3A_246, %sign3A_253 : i32
      %rem3A_255 = arith.remsi %add3A_237, %jit3A_238 : i32
      %ne3A_256 = arith.constant 0 : i32
      %ne3A_257 = arith.cmpi ne, %rem3A_255, %ne3A_256 : i32
      %and3A_258 = arith.andi %ne3A_254, %ne3A_257 : i1
      %sub3A_259 = arith.constant 1 : i32
      %sub3A_260 = arith.subi %div3A_239, %sub3A_259 : i32
      %select_n3A_261 = arith.select %and3A_258, %sub3A_260, %div3A_239 : i32
      %jit3A_262 = arith.constant 8 : i32
      %div3A_263 = arith.divsi %add3A_237, %jit3A_262 : i32
      %sign3A_264 = arith.constant 0 : i32
      %sign3A_265 = arith.cmpi sgt, %add3A_237, %sign3A_264 : i32
      %sign3A_266 = arith.extui %sign3A_265 : i1 to i32
      %sign3A_267 = arith.constant 0 : i32
      %sign3A_268 = arith.cmpi slt, %add3A_237, %sign3A_267 : i32
      %sign3A_269 = arith.extui %sign3A_268 : i1 to i32
      %sign3A_270 = arith.subi %sign3A_266, %sign3A_269 : i32
      %sign3A_271 = arith.constant 0 : i32
      %sign3A_272 = arith.cmpi sgt, %jit3A_262, %sign3A_271 : i32
      %sign3A_273 = arith.extui %sign3A_272 : i1 to i32
      %sign3A_274 = arith.constant 0 : i32
      %sign3A_275 = arith.cmpi slt, %jit3A_262, %sign3A_274 : i32
      %sign3A_276 = arith.extui %sign3A_275 : i1 to i32
      %sign3A_277 = arith.subi %sign3A_273, %sign3A_276 : i32
      %ne3A_278 = arith.cmpi ne, %sign3A_270, %sign3A_277 : i32
      %rem3A_279 = arith.remsi %add3A_237, %jit3A_262 : i32
      %ne3A_280 = arith.constant 0 : i32
      %ne3A_281 = arith.cmpi ne, %rem3A_279, %ne3A_280 : i32
      %and3A_282 = arith.andi %ne3A_278, %ne3A_281 : i1
      %sub3A_283 = arith.constant 1 : i32
      %sub3A_284 = arith.subi %div3A_263, %sub3A_283 : i32
      %select_n3A_285 = arith.select %and3A_282, %sub3A_284, %div3A_263 : i32
      %jit3A_286 = arith.constant 8 : i32
      %eq3A_287 = arith.constant 0 : i32
      %eq3A_288 = arith.cmpi eq, %jit3A_286, %eq3A_287 : i32
      %jit3A_289 = arith.constant 1 : i32
      %select_n3A_290 = arith.select %eq3A_288, %jit3A_289, %jit3A_286 : i32
      %rem3A_291 = arith.remsi %select_n3A_285, %select_n3A_290 : i32
      %ne3A_292 = arith.constant 0 : i32
      %ne3A_293 = arith.cmpi ne, %rem3A_291, %ne3A_292 : i32
      %lt3A_294 = arith.constant 0 : i32
      %lt3A_295 = arith.cmpi slt, %rem3A_291, %lt3A_294 : i32
      %lt3A_296 = arith.constant 0 : i32
      %lt3A_297 = arith.cmpi slt, %select_n3A_290, %lt3A_296 : i32
      %ne3A_298 = arith.xori %lt3A_295, %lt3A_297 : i1
      %and3A_299 = arith.andi %ne3A_298, %ne3A_293 : i1
      %add3A_300 = arith.addi %rem3A_291, %select_n3A_290 : i32
      %select_n3A_301 = arith.select %and3A_299, %add3A_300, %rem3A_291 : i32
      %jit3A_302 = arith.constant 8 : i32
      %eq3A_303 = arith.constant 0 : i32
      %eq3A_304 = arith.cmpi eq, %jit3A_302, %eq3A_303 : i32
      %jit3A_305 = arith.constant 1 : i32
      %select_n3A_306 = arith.select %eq3A_304, %jit3A_305, %jit3A_302 : i32
      %rem3A_307 = arith.remsi %add3A_237, %select_n3A_306 : i32
      %ne3A_308 = arith.constant 0 : i32
      %ne3A_309 = arith.cmpi ne, %rem3A_307, %ne3A_308 : i32
      %lt3A_310 = arith.constant 0 : i32
      %lt3A_311 = arith.cmpi slt, %rem3A_307, %lt3A_310 : i32
      %lt3A_312 = arith.constant 0 : i32
      %lt3A_313 = arith.cmpi slt, %select_n3A_306, %lt3A_312 : i32
      %ne3A_314 = arith.xori %lt3A_311, %lt3A_313 : i1
      %and3A_315 = arith.andi %ne3A_314, %ne3A_309 : i1
      %add3A_316 = arith.addi %rem3A_307, %select_n3A_306 : i32
      %select_n3A_317 = arith.select %and3A_315, %add3A_316, %rem3A_307 : i32
      %lt3A_318 = arith.constant 7 : i32
      %lt3A_319 = arith.cmpi slt, %select_n3A_301, %lt3A_318 : i32
      %convert_element_type3A_320 = arith.extui %lt3A_319 : i1 to i32
      %cond3A_321 = arith.constant 0 : i32
      %cond3A_322 = arith.cmpi ne, %convert_element_type3A_320, %cond3A_321 : i32
      scf.if %cond3A_322 {
        %scan3A_622 = arith.constant 0 : i32
        %scan3A_623 = arith.constant 0 : i32
        %scan3A_624 = arith.constant 128 : i32
        %scan3A_625 = arith.addi %scan3A_623, %scan3A_624 : i32
        %scan3A_626 = arith.constant 1 : i32
        scf.for %scan3A_628 = %scan3A_623 to %scan3A_625 step %scan3A_626  : i32 {
          %jit3A_629 = arith.constant 8 : i32
          %div3A_630 = arith.divsi %scan3A_628, %jit3A_629 : i32
          %sign3A_631 = arith.constant 0 : i32
          %sign3A_632 = arith.cmpi sgt, %scan3A_628, %sign3A_631 : i32
          %sign3A_633 = arith.extui %sign3A_632 : i1 to i32
          %sign3A_634 = arith.constant 0 : i32
          %sign3A_635 = arith.cmpi slt, %scan3A_628, %sign3A_634 : i32
          %sign3A_636 = arith.extui %sign3A_635 : i1 to i32
          %sign3A_637 = arith.subi %sign3A_633, %sign3A_636 : i32
          %sign3A_638 = arith.constant 0 : i32
          %sign3A_639 = arith.cmpi sgt, %jit3A_629, %sign3A_638 : i32
          %sign3A_640 = arith.extui %sign3A_639 : i1 to i32
          %sign3A_641 = arith.constant 0 : i32
          %sign3A_642 = arith.cmpi slt, %jit3A_629, %sign3A_641 : i32
          %sign3A_643 = arith.extui %sign3A_642 : i1 to i32
          %sign3A_644 = arith.subi %sign3A_640, %sign3A_643 : i32
          %ne3A_645 = arith.cmpi ne, %sign3A_637, %sign3A_644 : i32
          %rem3A_646 = arith.remsi %scan3A_628, %jit3A_629 : i32
          %ne3A_647 = arith.constant 0 : i32
          %ne3A_648 = arith.cmpi ne, %rem3A_646, %ne3A_647 : i32
          %and3A_649 = arith.andi %ne3A_645, %ne3A_648 : i1
          %sub3A_650 = arith.constant 1 : i32
          %sub3A_651 = arith.subi %div3A_630, %sub3A_650 : i32
          %select_n3A_652 = arith.select %and3A_649, %sub3A_651, %div3A_630 : i32
          %jit3A_653 = arith.constant 8 : i32
          %eq3A_654 = arith.constant 0 : i32
          %eq3A_655 = arith.cmpi eq, %jit3A_653, %eq3A_654 : i32
          %jit3A_656 = arith.constant 1 : i32
          %select_n3A_657 = arith.select %eq3A_655, %jit3A_656, %jit3A_653 : i32
          %rem3A_658 = arith.remsi %scan3A_628, %select_n3A_657 : i32
          %ne3A_659 = arith.constant 0 : i32
          %ne3A_660 = arith.cmpi ne, %rem3A_658, %ne3A_659 : i32
          %lt3A_661 = arith.constant 0 : i32
          %lt3A_662 = arith.cmpi slt, %rem3A_658, %lt3A_661 : i32
          %lt3A_663 = arith.constant 0 : i32
          %lt3A_664 = arith.cmpi slt, %select_n3A_657, %lt3A_663 : i32
          %ne3A_665 = arith.xori %lt3A_662, %lt3A_664 : i1
          %and3A_666 = arith.andi %ne3A_665, %ne3A_660 : i1
          %add3A_667 = arith.addi %rem3A_658, %select_n3A_657 : i32
          %select_n3A_668 = arith.select %and3A_666, %add3A_667, %rem3A_658 : i32
          %broadcast_in_dim3A = vector.broadcast %scan3A_628 : i32 to vector<16xi32>
          %gather3A = tpu.vector_load_idx %arg6[%add3A_7, %broadcast_in_dim3A] : memref<128x128xf32, #tpu.memory_space<vmem>>[vector<16xi32>, vector<16xi32>], vector<16xf32>,
          %swap3A = arith.index_cast %select_n3A_652 : i32 to index
          %swap3A_669 = arith.index_cast %select_n3A_668 : i32 to index
          %swap3A_670 = arith.constant 0 : index
          %swap3A_671 = tpu.vector_load %arg8[%swap3A, %swap3A_669, %swap3A_670] {strides = array<i32>} : memref<16x8x128xf32, #tpu.memory_space<vmem>>, vector<16xf32>,
          tpu.vector_store %arg8[%swap3A, %swap3A_669, %swap3A_670], %gather3A {strides = array<i32>} : memref<16x8x128xf32, #tpu.memory_space<vmem>>, vector<16xf32>,
          %gather3A_672 = tpu.vector_load_idx %arg6[%add3A_11, %broadcast_in_dim3A] : memref<128x128xf32, #tpu.memory_space<vmem>>[vector<16xi32>, vector<16xi32>], vector<16xf32>,
          %swap3A_673 = arith.index_cast %select_n3A_652 : i32 to index
          %swap3A_674 = arith.index_cast %select_n3A_668 : i32 to index
          %swap3A_675 = arith.constant 16 : index
          %swap3A_676 = tpu.vector_load %arg8[%swap3A_673, %swap3A_674, %swap3A_675] {strides = array<i32>} : memref<16x8x128xf32, #tpu.memory_space<vmem>>, vector<16xf32>,
          tpu.vector_store %arg8[%swap3A_673, %swap3A_674, %swap3A_675], %gather3A_672 {strides = array<i32>} : memref<16x8x128xf32, #tpu.memory_space<vmem>>, vector<16xf32>,
          %gather3A_677 = tpu.vector_load_idx %arg6[%add3A_15, %broadcast_in_dim3A] : memref<128x128xf32, #tpu.memory_space<vmem>>[vector<16xi32>, vector<16xi32>], vector<16xf32>,
          %swap3A_678 = arith.index_cast %select_n3A_652 : i32 to index
          %swap3A_679 = arith.index_cast %select_n3A_668 : i32 to index
          %swap3A_680 = arith.constant 32 : index
          %swap3A_681 = tpu.vector_load %arg8[%swap3A_678, %swap3A_679, %swap3A_680] {strides = array<i32>} : memref<16x8x128xf32, #tpu.memory_space<vmem>>, vector<16xf32>,
          tpu.vector_store %arg8[%swap3A_678, %swap3A_679, %swap3A_680], %gather3A_677 {strides = array<i32>} : memref<16x8x128xf32, #tpu.memory_space<vmem>>, vector<16xf32>,
          %gather3A_682 = tpu.vector_load_idx %arg6[%add3A_19, %broadcast_in_dim3A] : memref<128x128xf32, #tpu.memory_space<vmem>>[vector<16xi32>, vector<16xi32>], vector<16xf32>,
          %swap3A_683 = arith.index_cast %select_n3A_652 : i32 to index
          %swap3A_684 = arith.index_cast %select_n3A_668 : i32 to index
          %swap3A_685 = arith.constant 48 : index
          %swap3A_686 = tpu.vector_load %arg8[%swap3A_683, %swap3A_684, %swap3A_685] {strides = array<i32>} : memref<16x8x128xf32, #tpu.memory_space<vmem>>, vector<16xf32>,
          tpu.vector_store %arg8[%swap3A_683, %swap3A_684, %swap3A_685], %gather3A_682 {strides = array<i32>} : memref<16x8x128xf32, #tpu.memory_space<vmem>>, vector<16xf32>,
          %gather3A_687 = tpu.vector_load_idx %arg6[%add3A_23, %broadcast_in_dim3A] : memref<128x128xf32, #tpu.memory_space<vmem>>[vector<16xi32>, vector<16xi32>], vector<16xf32>,
          %swap3A_688 = arith.index_cast %select_n3A_652 : i32 to index
          %swap3A_689 = arith.index_cast %select_n3A_668 : i32 to index
          %swap3A_690 = arith.constant 64 : index
          %swap3A_691 = tpu.vector_load %arg8[%swap3A_688, %swap3A_689, %swap3A_690] {strides = array<i32>} : memref<16x8x128xf32, #tpu.memory_space<vmem>>, vector<16xf32>,
          tpu.vector_store %arg8[%swap3A_688, %swap3A_689, %swap3A_690], %gather3A_687 {strides = array<i32>} : memref<16x8x128xf32, #tpu.memory_space<vmem>>, vector<16xf32>,
          %gather3A_692 = tpu.vector_load_idx %arg6[%add3A_27, %broadcast_in_dim3A] : memref<128x128xf32, #tpu.memory_space<vmem>>[vector<16xi32>, vector<16xi32>], vector<16xf32>,
          %swap3A_693 = arith.index_cast %select_n3A_652 : i32 to index
          %swap3A_694 = arith.index_cast %select_n3A_668 : i32 to index
          %swap3A_695 = arith.constant 80 : index
          %swap3A_696 = tpu.vector_load %arg8[%swap3A_693, %swap3A_694, %swap3A_695] {strides = array<i32>} : memref<16x8x128xf32, #tpu.memory_space<vmem>>, vector<16xf32>,
          tpu.vector_store %arg8[%swap3A_693, %swap3A_694, %swap3A_695], %gather3A_692 {strides = array<i32>} : memref<16x8x128xf32, #tpu.memory_space<vmem>>, vector<16xf32>,
          %gather3A_697 = tpu.vector_load_idx %arg6[%add3A_31, %broadcast_in_dim3A] : memref<128x128xf32, #tpu.memory_space<vmem>>[vector<16xi32>, vector<16xi32>], vector<16xf32>,
          %swap3A_698 = arith.index_cast %select_n3A_652 : i32 to index
          %swap3A_699 = arith.index_cast %select_n3A_668 : i32 to index
          %swap3A_700 = arith.constant 96 : index
          %swap3A_701 = tpu.vector_load %arg8[%swap3A_698, %swap3A_699, %swap3A_700] {strides = array<i32>} : memref<16x8x128xf32, #tpu.memory_space<vmem>>, vector<16xf32>,
          tpu.vector_store %arg8[%swap3A_698, %swap3A_699, %swap3A_700], %gather3A_697 {strides = array<i32>} : memref<16x8x128xf32, #tpu.memory_space<vmem>>, vector<16xf32>,
          %gather3A_702 = tpu.vector_load_idx %arg6[%add3A_35, %broadcast_in_dim3A] : memref<128x128xf32, #tpu.memory_space<vmem>>[vector<16xi32>, vector<16xi32>], vector<16xf32>,
          %swap3A_703 = arith.index_cast %select_n3A_652 : i32 to index
          %swap3A_704 = arith.index_cast %select_n3A_668 : i32 to index
          %swap3A_705 = arith.constant 112 : index
          %swap3A_706 = tpu.vector_load %arg8[%swap3A_703, %swap3A_704, %swap3A_705] {strides = array<i32>} : memref<16x8x128xf32, #tpu.memory_space<vmem>>, vector<16xf32>,
          tpu.vector_store %arg8[%swap3A_703, %swap3A_704, %swap3A_705], %gather3A_702 {strides = array<i32>} : memref<16x8x128xf32, #tpu.memory_space<vmem>>, vector<16xf32>,
        }
        %scan3A_627 = arith.constant 128 : i32
      } else {
      }
      %eq3A_323 = arith.constant 7 : i32
      %eq3A_324 = arith.cmpi eq, %select_n3A_301, %eq3A_323 : i32
      %convert_element_type3A_325 = arith.extui %eq3A_324 : i1 to i32
      %cond3A_326 = arith.constant 0 : i32
      %cond3A_327 = arith.cmpi ne, %convert_element_type3A_325, %cond3A_326 : i32
      scf.if %cond3A_327 {
        %scan3A_622 = arith.constant 0 : i32
        %scan3A_623 = arith.constant 0 : i32
        %scan3A_624 = arith.constant 104 : i32
        %scan3A_625 = arith.addi %scan3A_623, %scan3A_624 : i32
        %scan3A_626 = arith.constant 1 : i32
        scf.for %scan3A_628 = %scan3A_623 to %scan3A_625 step %scan3A_626  : i32 {
          %jit3A_629 = arith.constant 8 : i32
          %div3A_630 = arith.divsi %scan3A_628, %jit3A_629 : i32
          %sign3A_631 = arith.constant 0 : i32
          %sign3A_632 = arith.cmpi sgt, %scan3A_628, %sign3A_631 : i32
          %sign3A_633 = arith.extui %sign3A_632 : i1 to i32
          %sign3A_634 = arith.constant 0 : i32
          %sign3A_635 = arith.cmpi slt, %scan3A_628, %sign3A_634 : i32
          %sign3A_636 = arith.extui %sign3A_635 : i1 to i32
          %sign3A_637 = arith.subi %sign3A_633, %sign3A_636 : i32
          %sign3A_638 = arith.constant 0 : i32
          %sign3A_639 = arith.cmpi sgt, %jit3A_629, %sign3A_638 : i32
          %sign3A_640 = arith.extui %sign3A_639 : i1 to i32
          %sign3A_641 = arith.constant 0 : i32
          %sign3A_642 = arith.cmpi slt, %jit3A_629, %sign3A_641 : i32
          %sign3A_643 = arith.extui %sign3A_642 : i1 to i32
          %sign3A_644 = arith.subi %sign3A_640, %sign3A_643 : i32
          %ne3A_645 = arith.cmpi ne, %sign3A_637, %sign3A_644 : i32
          %rem3A_646 = arith.remsi %scan3A_628, %jit3A_629 : i32
          %ne3A_647 = arith.constant 0 : i32
          %ne3A_648 = arith.cmpi ne, %rem3A_646, %ne3A_647 : i32
          %and3A_649 = arith.andi %ne3A_645, %ne3A_648 : i1
          %sub3A_650 = arith.constant 1 : i32
          %sub3A_651 = arith.subi %div3A_630, %sub3A_650 : i32
          %select_n3A_652 = arith.select %and3A_649, %sub3A_651, %div3A_630 : i32
          %jit3A_653 = arith.constant 8 : i32
          %eq3A_654 = arith.constant 0 : i32
          %eq3A_655 = arith.cmpi eq, %jit3A_653, %eq3A_654 : i32
          %jit3A_656 = arith.constant 1 : i32
          %select_n3A_657 = arith.select %eq3A_655, %jit3A_656, %jit3A_653 : i32
          %rem3A_658 = arith.remsi %scan3A_628, %select_n3A_657 : i32
          %ne3A_659 = arith.constant 0 : i32
          %ne3A_660 = arith.cmpi ne, %rem3A_658, %ne3A_659 : i32
          %lt3A_661 = arith.constant 0 : i32
          %lt3A_662 = arith.cmpi slt, %rem3A_658, %lt3A_661 : i32
          %lt3A_663 = arith.constant 0 : i32
          %lt3A_664 = arith.cmpi slt, %select_n3A_657, %lt3A_663 : i32
          %ne3A_665 = arith.xori %lt3A_662, %lt3A_664 : i1
          %and3A_666 = arith.andi %ne3A_665, %ne3A_660 : i1
          %add3A_667 = arith.addi %rem3A_658, %select_n3A_657 : i32
          %select_n3A_668 = arith.select %and3A_666, %add3A_667, %rem3A_658 : i32
          %broadcast_in_dim3A = vector.broadcast %scan3A_628 : i32 to vector<16xi32>
          %gather3A = tpu.vector_load_idx %arg6[%add3A_7, %broadcast_in_dim3A] : memref<128x128xf32, #tpu.memory_space<vmem>>[vector<16xi32>, vector<16xi32>], vector<16xf32>,
          %swap3A = arith.index_cast %select_n3A_652 : i32 to index
          %swap3A_669 = arith.index_cast %select_n3A_668 : i32 to index
          %swap3A_670 = arith.constant 0 : index
          %swap3A_671 = tpu.vector_load %arg8[%swap3A, %swap3A_669, %swap3A_670] {strides = array<i32>} : memref<16x8x128xf32, #tpu.memory_space<vmem>>, vector<16xf32>,
          tpu.vector_store %arg8[%swap3A, %swap3A_669, %swap3A_670], %gather3A {strides = array<i32>} : memref<16x8x128xf32, #tpu.memory_space<vmem>>, vector<16xf32>,
          %gather3A_672 = tpu.vector_load_idx %arg6[%add3A_11, %broadcast_in_dim3A] : memref<128x128xf32, #tpu.memory_space<vmem>>[vector<16xi32>, vector<16xi32>], vector<16xf32>,
          %swap3A_673 = arith.index_cast %select_n3A_652 : i32 to index
          %swap3A_674 = arith.index_cast %select_n3A_668 : i32 to index
          %swap3A_675 = arith.constant 16 : index
          %swap3A_676 = tpu.vector_load %arg8[%swap3A_673, %swap3A_674, %swap3A_675] {strides = array<i32>} : memref<16x8x128xf32, #tpu.memory_space<vmem>>, vector<16xf32>,
          tpu.vector_store %arg8[%swap3A_673, %swap3A_674, %swap3A_675], %gather3A_672 {strides = array<i32>} : memref<16x8x128xf32, #tpu.memory_space<vmem>>, vector<16xf32>,
          %gather3A_677 = tpu.vector_load_idx %arg6[%add3A_15, %broadcast_in_dim3A] : memref<128x128xf32, #tpu.memory_space<vmem>>[vector<16xi32>, vector<16xi32>], vector<16xf32>,
          %swap3A_678 = arith.index_cast %select_n3A_652 : i32 to index
          %swap3A_679 = arith.index_cast %select_n3A_668 : i32 to index
          %swap3A_680 = arith.constant 32 : index
          %swap3A_681 = tpu.vector_load %arg8[%swap3A_678, %swap3A_679, %swap3A_680] {strides = array<i32>} : memref<16x8x128xf32, #tpu.memory_space<vmem>>, vector<16xf32>,
          tpu.vector_store %arg8[%swap3A_678, %swap3A_679, %swap3A_680], %gather3A_677 {strides = array<i32>} : memref<16x8x128xf32, #tpu.memory_space<vmem>>, vector<16xf32>,
          %gather3A_682 = tpu.vector_load_idx %arg6[%add3A_19, %broadcast_in_dim3A] : memref<128x128xf32, #tpu.memory_space<vmem>>[vector<16xi32>, vector<16xi32>], vector<16xf32>,
          %swap3A_683 = arith.index_cast %select_n3A_652 : i32 to index
          %swap3A_684 = arith.index_cast %select_n3A_668 : i32 to index
          %swap3A_685 = arith.constant 48 : index
          %swap3A_686 = tpu.vector_load %arg8[%swap3A_683, %swap3A_684, %swap3A_685] {strides = array<i32>} : memref<16x8x128xf32, #tpu.memory_space<vmem>>, vector<16xf32>,
          tpu.vector_store %arg8[%swap3A_683, %swap3A_684, %swap3A_685], %gather3A_682 {strides = array<i32>} : memref<16x8x128xf32, #tpu.memory_space<vmem>>, vector<16xf32>,
          %gather3A_687 = tpu.vector_load_idx %arg6[%add3A_23, %broadcast_in_dim3A] : memref<128x128xf32, #tpu.memory_space<vmem>>[vector<16xi32>, vector<16xi32>], vector<16xf32>,
          %swap3A_688 = arith.index_cast %select_n3A_652 : i32 to index
          %swap3A_689 = arith.index_cast %select_n3A_668 : i32 to index
          %swap3A_690 = arith.constant 64 : index
          %swap3A_691 = tpu.vector_load %arg8[%swap3A_688, %swap3A_689, %swap3A_690] {strides = array<i32>} : memref<16x8x128xf32, #tpu.memory_space<vmem>>, vector<16xf32>,
          tpu.vector_store %arg8[%swap3A_688, %swap3A_689, %swap3A_690], %gather3A_687 {strides = array<i32>} : memref<16x8x128xf32, #tpu.memory_space<vmem>>, vector<16xf32>,
          %gather3A_692 = tpu.vector_load_idx %arg6[%add3A_27, %broadcast_in_dim3A] : memref<128x128xf32, #tpu.memory_space<vmem>>[vector<16xi32>, vector<16xi32>], vector<16xf32>,
          %swap3A_693 = arith.index_cast %select_n3A_652 : i32 to index
          %swap3A_694 = arith.index_cast %select_n3A_668 : i32 to index
          %swap3A_695 = arith.constant 80 : index
          %swap3A_696 = tpu.vector_load %arg8[%swap3A_693, %swap3A_694, %swap3A_695] {strides = array<i32>} : memref<16x8x128xf32, #tpu.memory_space<vmem>>, vector<16xf32>,
          tpu.vector_store %arg8[%swap3A_693, %swap3A_694, %swap3A_695], %gather3A_692 {strides = array<i32>} : memref<16x8x128xf32, #tpu.memory_space<vmem>>, vector<16xf32>,
          %gather3A_697 = tpu.vector_load_idx %arg6[%add3A_31, %broadcast_in_dim3A] : memref<128x128xf32, #tpu.memory_space<vmem>>[vector<16xi32>, vector<16xi32>], vector<16xf32>,
          %swap3A_698 = arith.index_cast %select_n3A_652 : i32 to index
          %swap3A_699 = arith.index_cast %select_n3A_668 : i32 to index
          %swap3A_700 = arith.constant 96 : index
          %swap3A_701 = tpu.vector_load %arg8[%swap3A_698, %swap3A_699, %swap3A_700] {strides = array<i32>} : memref<16x8x128xf32, #tpu.memory_space<vmem>>, vector<16xf32>,
          tpu.vector_store %arg8[%swap3A_698, %swap3A_699, %swap3A_700], %gather3A_697 {strides = array<i32>} : memref<16x8x128xf32, #tpu.memory_space<vmem>>, vector<16xf32>,
          %gather3A_702 = tpu.vector_load_idx %arg6[%add3A_35, %broadcast_in_dim3A] : memref<128x128xf32, #tpu.memory_space<vmem>>[vector<16xi32>, vector<16xi32>], vector<16xf32>,
          %swap3A_703 = arith.index_cast %select_n3A_652 : i32 to index
          %swap3A_704 = arith.index_cast %select_n3A_668 : i32 to index
          %swap3A_705 = arith.constant 112 : index
          %swap3A_706 = tpu.vector_load %arg8[%swap3A_703, %swap3A_704, %swap3A_705] {strides = array<i32>} : memref<16x8x128xf32, #tpu.memory_space<vmem>>, vector<16xf32>,
          tpu.vector_store %arg8[%swap3A_703, %swap3A_704, %swap3A_705], %gather3A_702 {strides = array<i32>} : memref<16x8x128xf32, #tpu.memory_space<vmem>>, vector<16xf32>,
        }
        %scan3A_627 = arith.constant 104 : i32
      } else {
      }
      %add3A_328 = arith.addi %mul3A_2, %add3A_221 : i32
      %jit3A_329 = arith.constant 64 : i32
      %div3A_330 = arith.divsi %add3A_328, %jit3A_329 : i32
      %sign3A_331 = arith.constant 0 : i32
      %sign3A_332 = arith.cmpi sgt, %add3A_328, %sign3A_331 : i32
      %sign3A_333 = arith.extui %sign3A_332 : i1 to i32
      %sign3A_334 = arith.constant 0 : i32
      %sign3A_335 = arith.cmpi slt, %add3A_328, %sign3A_334 : i32
      %sign3A_336 = arith.extui %sign3A_335 : i1 to i32
      %sign3A_337 = arith.subi %sign3A_333, %sign3A_336 : i32
      %sign3A_338 = arith.constant 0 : i32
      %sign3A_339 = arith.cmpi sgt, %jit3A_329, %sign3A_338 : i32
      %sign3A_340 = arith.extui %sign3A_339 : i1 to i32
      %sign3A_341 = arith.constant 0 : i32
      %sign3A_342 = arith.cmpi slt, %jit3A_329, %sign3A_341 : i32
      %sign3A_343 = arith.extui %sign3A_342 : i1 to i32
      %sign3A_344 = arith.subi %sign3A_340, %sign3A_343 : i32
      %ne3A_345 = arith.cmpi ne, %sign3A_337, %sign3A_344 : i32
      %rem3A_346 = arith.remsi %add3A_328, %jit3A_329 : i32
      %ne3A_347 = arith.constant 0 : i32
      %ne3A_348 = arith.cmpi ne, %rem3A_346, %ne3A_347 : i32
      %and3A_349 = arith.andi %ne3A_345, %ne3A_348 : i1
      %sub3A_350 = arith.constant 1 : i32
      %sub3A_351 = arith.subi %div3A_330, %sub3A_350 : i32
      %select_n3A_352 = arith.select %and3A_349, %sub3A_351, %div3A_330 : i32
      %jit3A_353 = arith.constant 8 : i32
      %div3A_354 = arith.divsi %add3A_328, %jit3A_353 : i32
      %sign3A_355 = arith.constant 0 : i32
      %sign3A_356 = arith.cmpi sgt, %add3A_328, %sign3A_355 : i32
      %sign3A_357 = arith.extui %sign3A_356 : i1 to i32
      %sign3A_358 = arith.constant 0 : i32
      %sign3A_359 = arith.cmpi slt, %add3A_328, %sign3A_358 : i32
      %sign3A_360 = arith.extui %sign3A_359 : i1 to i32
      %sign3A_361 = arith.subi %sign3A_357, %sign3A_360 : i32
      %sign3A_362 = arith.constant 0 : i32
      %sign3A_363 = arith.cmpi sgt, %jit3A_353, %sign3A_362 : i32
      %sign3A_364 = arith.extui %sign3A_363 : i1 to i32
      %sign3A_365 = arith.constant 0 : i32
      %sign3A_366 = arith.cmpi slt, %jit3A_353, %sign3A_365 : i32
      %sign3A_367 = arith.extui %sign3A_366 : i1 to i32
      %sign3A_368 = arith.subi %sign3A_364, %sign3A_367 : i32
      %ne3A_369 = arith.cmpi ne, %sign3A_361, %sign3A_368 : i32
      %rem3A_370 = arith.remsi %add3A_328, %jit3A_353 : i32
      %ne3A_371 = arith.constant 0 : i32
      %ne3A_372 = arith.cmpi ne, %rem3A_370, %ne3A_371 : i32
      %and3A_373 = arith.andi %ne3A_369, %ne3A_372 : i1
      %sub3A_374 = arith.constant 1 : i32
      %sub3A_375 = arith.subi %div3A_354, %sub3A_374 : i32
      %select_n3A_376 = arith.select %and3A_373, %sub3A_375, %div3A_354 : i32
      %jit3A_377 = arith.constant 8 : i32
      %eq3A_378 = arith.constant 0 : i32
      %eq3A_379 = arith.cmpi eq, %jit3A_377, %eq3A_378 : i32
      %jit3A_380 = arith.constant 1 : i32
      %select_n3A_381 = arith.select %eq3A_379, %jit3A_380, %jit3A_377 : i32
      %rem3A_382 = arith.remsi %select_n3A_376, %select_n3A_381 : i32
      %ne3A_383 = arith.constant 0 : i32
      %ne3A_384 = arith.cmpi ne, %rem3A_382, %ne3A_383 : i32
      %lt3A_385 = arith.constant 0 : i32
      %lt3A_386 = arith.cmpi slt, %rem3A_382, %lt3A_385 : i32
      %lt3A_387 = arith.constant 0 : i32
      %lt3A_388 = arith.cmpi slt, %select_n3A_381, %lt3A_387 : i32
      %ne3A_389 = arith.xori %lt3A_386, %lt3A_388 : i1
      %and3A_390 = arith.andi %ne3A_389, %ne3A_384 : i1
      %add3A_391 = arith.addi %rem3A_382, %select_n3A_381 : i32
      %select_n3A_392 = arith.select %and3A_390, %add3A_391, %rem3A_382 : i32
      %jit3A_393 = arith.constant 8 : i32
      %eq3A_394 = arith.constant 0 : i32
      %eq3A_395 = arith.cmpi eq, %jit3A_393, %eq3A_394 : i32
      %jit3A_396 = arith.constant 1 : i32
      %select_n3A_397 = arith.select %eq3A_395, %jit3A_396, %jit3A_393 : i32
      %rem3A_398 = arith.remsi %add3A_328, %select_n3A_397 : i32
      %ne3A_399 = arith.constant 0 : i32
      %ne3A_400 = arith.cmpi ne, %rem3A_398, %ne3A_399 : i32
      %lt3A_401 = arith.constant 0 : i32
      %lt3A_402 = arith.cmpi slt, %rem3A_398, %lt3A_401 : i32
      %lt3A_403 = arith.constant 0 : i32
      %lt3A_404 = arith.cmpi slt, %select_n3A_397, %lt3A_403 : i32
      %ne3A_405 = arith.xori %lt3A_402, %lt3A_404 : i1
      %and3A_406 = arith.andi %ne3A_405, %ne3A_400 : i1
      %add3A_407 = arith.addi %rem3A_398, %select_n3A_397 : i32
      %select_n3A_408 = arith.select %and3A_406, %add3A_407, %rem3A_398 : i32
      %lt3A_409 = arith.constant 7 : i32
      %lt3A_410 = arith.cmpi slt, %select_n3A_392, %lt3A_409 : i32
      %convert_element_type3A_411 = arith.extui %lt3A_410 : i1 to i32
      %cond3A_412 = arith.constant 0 : i32
      %cond3A_413 = arith.cmpi ne, %convert_element_type3A_411, %cond3A_412 : i32
      scf.if %cond3A_413 {
        %mul3A_622 = arith.constant 16 : i32
        %mul3A_623 = arith.muli %select_n3A_392, %mul3A_622 : i32
        %dma_start3A_624 = arith.constant 0 : i32
        %dma_start3A_625 = arith.constant 0 : i32
        %dma_start3A_626 = arith.constant 0 : i32
        %dma_start3A_627 = tpu.memref_slice %arg8[%dma_start3A_624, %dma_start3A_625, %dma_start3A_626] : memref<16x8x128xf32, #tpu.memory_space<vmem>> -> memref<16x8x128xf32, #tpu.memory_space<vmem>>
        %dma_start3A_628 = arith.constant 0 : i32
        %dma_start3A_629 = arith.constant 0 : i32
        %dma_start3A_630 = tpu.memref_slice %arg4[%select_n3A_352, %mul3A_623, %select_n3A_408, %dma_start3A_628, %dma_start3A_629] : memref<50x125x8x8x128xf32, #tpu.memory_space<hbm>> -> memref<1x16x1x8x128xf32, #tpu.memory_space<hbm>>
        %dma_start3A_631 = tpu.memref_squeeze %dma_start3A_630 : memref<1x16x1x8x128xf32, #tpu.memory_space<hbm>> -> memref<16x8x128xf32, #tpu.memory_space<hbm>>
        %dma_start3A_632 = arith.constant 0 : i32
        %dma_start3A_633 = arith.constant 0 : i32
        %dma_start3A_634 = tpu.memref_slice %arg4[%select_n3A_352, %mul3A_623, %select_n3A_408, %dma_start3A_632, %dma_start3A_633] : memref<50x125x8x8x128xf32, #tpu.memory_space<hbm>> -> memref<1x16x1x8x128xf32, #tpu.memory_space<hbm>>
        %dma_start3A_635 = tpu.memref_squeeze %dma_start3A_634 : memref<1x16x1x8x128xf32, #tpu.memory_space<hbm>> -> memref<16x8x128xf32, #tpu.memory_space<hbm>>
        %dma_start3A_636 = arith.constant 0 : i32
        %dma_start3A_637 = arith.constant 0 : i32
        %dma_start3A_638 = arith.constant 0 : i32
        %dma_start3A_639 = tpu.memref_slice %arg8[%dma_start3A_636, %dma_start3A_637, %dma_start3A_638] : memref<16x8x128xf32, #tpu.memory_space<vmem>> -> memref<16x8x128xf32, #tpu.memory_space<vmem>>
        tpu.enqueue_dma source(%dma_start3A_639 : memref<16x8x128xf32, #tpu.memory_space<vmem>>) target(%dma_start3A_635 : memref<16x8x128xf32, #tpu.memory_space<hbm>>) target_semaphore(%arg12 : memref<!tpu.dma_semaphore, #tpu.memory_space<semaphore_mem>>)
      } else {
      }
      %eq3A_414 = arith.constant 7 : i32
      %eq3A_415 = arith.cmpi eq, %select_n3A_392, %eq3A_414 : i32
      %convert_element_type3A_416 = arith.extui %eq3A_415 : i1 to i32
      %cond3A_417 = arith.constant 0 : i32
      %cond3A_418 = arith.cmpi ne, %convert_element_type3A_416, %cond3A_417 : i32
      scf.if %cond3A_418 {
        %dma_start3A_622 = arith.constant 0 : i32
        %dma_start3A_623 = arith.constant 0 : i32
        %dma_start3A_624 = arith.constant 0 : i32
        %dma_start3A_625 = tpu.memref_slice %arg8[%dma_start3A_622, %dma_start3A_623, %dma_start3A_624] : memref<16x8x128xf32, #tpu.memory_space<vmem>> -> memref<13x8x128xf32, #tpu.memory_space<vmem>>
        %dma_start3A_626 = arith.constant 112 : i32
        %dma_start3A_627 = arith.constant 0 : i32
        %dma_start3A_628 = arith.constant 0 : i32
        %dma_start3A_629 = tpu.memref_slice %arg4[%select_n3A_352, %dma_start3A_626, %select_n3A_408, %dma_start3A_627, %dma_start3A_628] : memref<50x125x8x8x128xf32, #tpu.memory_space<hbm>> -> memref<1x13x1x8x128xf32, #tpu.memory_space<hbm>>
        %dma_start3A_630 = tpu.memref_squeeze %dma_start3A_629 : memref<1x13x1x8x128xf32, #tpu.memory_space<hbm>> -> memref<13x8x128xf32, #tpu.memory_space<hbm>>
        %dma_start3A_631 = arith.constant 112 : i32
        %dma_start3A_632 = arith.constant 0 : i32
        %dma_start3A_633 = arith.constant 0 : i32
        %dma_start3A_634 = tpu.memref_slice %arg4[%select_n3A_352, %dma_start3A_631, %select_n3A_408, %dma_start3A_632, %dma_start3A_633] : memref<50x125x8x8x128xf32, #tpu.memory_space<hbm>> -> memref<1x13x1x8x128xf32, #tpu.memory_space<hbm>>
        %dma_start3A_635 = tpu.memref_squeeze %dma_start3A_634 : memref<1x13x1x8x128xf32, #tpu.memory_space<hbm>> -> memref<13x8x128xf32, #tpu.memory_space<hbm>>
        %dma_start3A_636 = arith.constant 0 : i32
        %dma_start3A_637 = arith.constant 0 : i32
        %dma_start3A_638 = arith.constant 0 : i32
        %dma_start3A_639 = tpu.memref_slice %arg8[%dma_start3A_636, %dma_start3A_637, %dma_start3A_638] : memref<16x8x128xf32, #tpu.memory_space<vmem>> -> memref<13x8x128xf32, #tpu.memory_space<vmem>>
        tpu.enqueue_dma source(%dma_start3A_639 : memref<13x8x128xf32, #tpu.memory_space<vmem>>) target(%dma_start3A_635 : memref<13x8x128xf32, #tpu.memory_space<hbm>>) target_semaphore(%arg13 : memref<!tpu.dma_semaphore, #tpu.memory_space<semaphore_mem>>)
      } else {
      }
      %mul3A_419 = arith.constant 2 : i32
      %mul3A_420 = arith.muli %mul3A_419, %scan3A_217 : i32
      %add3A_421 = arith.constant 1 : i32
      %add3A_422 = arith.addi %mul3A_420, %add3A_421 : i32
      %add3A_423 = arith.constant 1 : i32
      %add3A_424 = arith.addi %add3A_422, %add3A_423 : i32
      %lt3A_425 = arith.constant 100 : i32
      %lt3A_426 = arith.cmpi slt, %add3A_424, %lt3A_425 : i32
      %convert_element_type3A_427 = arith.extui %lt3A_426 : i1 to i32
      %cond3A_428 = arith.constant 0 : i32
      %cond3A_429 = arith.cmpi ne, %convert_element_type3A_427, %cond3A_428 : i32
      scf.if %cond3A_429 {
        %add3A_622 = arith.constant 1 : i32
        %add3A_623 = arith.addi %add3A_422, %add3A_622 : i32
        %mul3A_624 = arith.constant 128 : i32
        %mul3A_625 = arith.muli %add3A_623, %mul3A_624 : i32
        %dma_start3A_626 = tpu.memref_slice %arg5[%mul3A_625] : memref<12800xi32, #tpu.memory_space<vmem>> -> memref<128xi32, #tpu.memory_space<vmem>>
        %dma_start3A_627 = arith.constant 0 : i32
        %dma_start3A_628 = arith.constant 0 : i32
        %dma_start3A_629 = tpu.memref_slice %arg2[%dma_start3A_627, %dma_start3A_628] : memref<8000x128xf32, #tpu.memory_space<hbm>> -> memref<8000x128xf32, #tpu.memory_space<hbm>>
        tpu.enqueue_indirect_dma source(%dma_start3A_629 : memref<8000x128xf32, #tpu.memory_space<hbm>>) target(%arg6 : memref<128x128xf32, #tpu.memory_space<vmem>>) offsets(%dma_start3A_626 : memref<128xi32, #tpu.memory_space<vmem>>) semaphore(%arg10 : memref<!tpu.dma_semaphore, #tpu.memory_space<semaphore_mem>>)
      } else {
      }
      %dma_wait3A_430 = arith.constant 0 : i32
      %dma_wait3A_431 = tpu.memref_slice %arg5[%dma_wait3A_430] : memref<12800xi32, #tpu.memory_space<vmem>> -> memref<128xi32, #tpu.memory_space<vmem>>
      %dma_wait3A_432 = arith.constant 0 : i32
      %dma_wait3A_433 = arith.constant 0 : i32
      %dma_wait3A_434 = tpu.memref_slice %arg2[%dma_wait3A_432, %dma_wait3A_433] : memref<8000x128xf32, #tpu.memory_space<hbm>> -> memref<8000x128xf32, #tpu.memory_space<hbm>>
      tpu.wait_indirect_dma semaphore(%arg11 : memref<!tpu.dma_semaphore, #tpu.memory_space<semaphore_mem>>) src(%dma_wait3A_434 : memref<8000x128xf32, #tpu.memory_space<hbm>>) dst(%arg7 : memref<128x128xf32, #tpu.memory_space<vmem>>)
      %ge3A_435 = arith.constant 2 : i32
      %ge3A_436 = arith.cmpi sge, %add3A_422, %ge3A_435 : i32
      %convert_element_type3A_437 = arith.extui %ge3A_436 : i1 to i32
      %cond3A_438 = arith.constant 0 : i32
      %cond3A_439 = arith.cmpi ne, %convert_element_type3A_437, %cond3A_438 : i32
      scf.if %cond3A_439 {
        %sub3A_622 = arith.constant 2 : i32
        %sub3A_623 = arith.subi %add3A_422, %sub3A_622 : i32
        %add3A_624 = arith.addi %mul3A_2, %sub3A_623 : i32
        %jit3A_625 = arith.constant 64 : i32
        %div3A_626 = arith.divsi %add3A_624, %jit3A_625 : i32
        %sign3A_627 = arith.constant 0 : i32
        %sign3A_628 = arith.cmpi sgt, %add3A_624, %sign3A_627 : i32
        %sign3A_629 = arith.extui %sign3A_628 : i1 to i32
        %sign3A_630 = arith.constant 0 : i32
        %sign3A_631 = arith.cmpi slt, %add3A_624, %sign3A_630 : i32
        %sign3A_632 = arith.extui %sign3A_631 : i1 to i32
        %sign3A_633 = arith.subi %sign3A_629, %sign3A_632 : i32
        %sign3A_634 = arith.constant 0 : i32
        %sign3A_635 = arith.cmpi sgt, %jit3A_625, %sign3A_634 : i32
        %sign3A_636 = arith.extui %sign3A_635 : i1 to i32
        %sign3A_637 = arith.constant 0 : i32
        %sign3A_638 = arith.cmpi slt, %jit3A_625, %sign3A_637 : i32
        %sign3A_639 = arith.extui %sign3A_638 : i1 to i32
        %sign3A_640 = arith.subi %sign3A_636, %sign3A_639 : i32
        %ne3A_641 = arith.cmpi ne, %sign3A_633, %sign3A_640 : i32
        %rem3A_642 = arith.remsi %add3A_624, %jit3A_625 : i32
        %ne3A_643 = arith.constant 0 : i32
        %ne3A_644 = arith.cmpi ne, %rem3A_642, %ne3A_643 : i32
        %and3A_645 = arith.andi %ne3A_641, %ne3A_644 : i1
        %sub3A_646 = arith.constant 1 : i32
        %sub3A_647 = arith.subi %div3A_626, %sub3A_646 : i32
        %select_n3A_648 = arith.select %and3A_645, %sub3A_647, %div3A_626 : i32
        %jit3A_649 = arith.constant 8 : i32
        %div3A_650 = arith.divsi %add3A_624, %jit3A_649 : i32
        %sign3A_651 = arith.constant 0 : i32
        %sign3A_652 = arith.cmpi sgt, %add3A_624, %sign3A_651 : i32
        %sign3A_653 = arith.extui %sign3A_652 : i1 to i32
        %sign3A_654 = arith.constant 0 : i32
        %sign3A_655 = arith.cmpi slt, %add3A_624, %sign3A_654 : i32
        %sign3A_656 = arith.extui %sign3A_655 : i1 to i32
        %sign3A_657 = arith.subi %sign3A_653, %sign3A_656 : i32
        %sign3A_658 = arith.constant 0 : i32
        %sign3A_659 = arith.cmpi sgt, %jit3A_649, %sign3A_658 : i32
        %sign3A_660 = arith.extui %sign3A_659 : i1 to i32
        %sign3A_661 = arith.constant 0 : i32
        %sign3A_662 = arith.cmpi slt, %jit3A_649, %sign3A_661 : i32
        %sign3A_663 = arith.extui %sign3A_662 : i1 to i32
        %sign3A_664 = arith.subi %sign3A_660, %sign3A_663 : i32
        %ne3A_665 = arith.cmpi ne, %sign3A_657, %sign3A_664 : i32
        %rem3A_666 = arith.remsi %add3A_624, %jit3A_649 : i32
        %ne3A_667 = arith.constant 0 : i32
        %ne3A_668 = arith.cmpi ne, %rem3A_666, %ne3A_667 : i32
        %and3A_669 = arith.andi %ne3A_665, %ne3A_668 : i1
        %sub3A_670 = arith.constant 1 : i32
        %sub3A_671 = arith.subi %div3A_650, %sub3A_670 : i32
        %select_n3A_672 = arith.select %and3A_669, %sub3A_671, %div3A_650 : i32
        %jit3A_673 = arith.constant 8 : i32
        %eq3A_674 = arith.constant 0 : i32
        %eq3A_675 = arith.cmpi eq, %jit3A_673, %eq3A_674 : i32
        %jit3A_676 = arith.constant 1 : i32
        %select_n3A_677 = arith.select %eq3A_675, %jit3A_676, %jit3A_673 : i32
        %rem3A_678 = arith.remsi %select_n3A_672, %select_n3A_677 : i32
        %ne3A_679 = arith.constant 0 : i32
        %ne3A_680 = arith.cmpi ne, %rem3A_678, %ne3A_679 : i32
        %lt3A_681 = arith.constant 0 : i32
        %lt3A_682 = arith.cmpi slt, %rem3A_678, %lt3A_681 : i32
        %lt3A_683 = arith.constant 0 : i32
        %lt3A_684 = arith.cmpi slt, %select_n3A_677, %lt3A_683 : i32
        %ne3A_685 = arith.xori %lt3A_682, %lt3A_684 : i1
        %and3A_686 = arith.andi %ne3A_685, %ne3A_680 : i1
        %add3A_687 = arith.addi %rem3A_678, %select_n3A_677 : i32
        %select_n3A_688 = arith.select %and3A_686, %add3A_687, %rem3A_678 : i32
        %jit3A_689 = arith.constant 8 : i32
        %eq3A_690 = arith.constant 0 : i32
        %eq3A_691 = arith.cmpi eq, %jit3A_689, %eq3A_690 : i32
        %jit3A_692 = arith.constant 1 : i32
        %select_n3A_693 = arith.select %eq3A_691, %jit3A_692, %jit3A_689 : i32
        %rem3A_694 = arith.remsi %add3A_624, %select_n3A_693 : i32
        %ne3A_695 = arith.constant 0 : i32
        %ne3A_696 = arith.cmpi ne, %rem3A_694, %ne3A_695 : i32
        %lt3A_697 = arith.constant 0 : i32
        %lt3A_698 = arith.cmpi slt, %rem3A_694, %lt3A_697 : i32
        %lt3A_699 = arith.constant 0 : i32
        %lt3A_700 = arith.cmpi slt, %select_n3A_693, %lt3A_699 : i32
        %ne3A_701 = arith.xori %lt3A_698, %lt3A_700 : i1
        %and3A_702 = arith.andi %ne3A_701, %ne3A_696 : i1
        %add3A_703 = arith.addi %rem3A_694, %select_n3A_693 : i32
        %select_n3A_704 = arith.select %and3A_702, %add3A_703, %rem3A_694 : i32
        %lt3A_705 = arith.constant 7 : i32
        %lt3A_706 = arith.cmpi slt, %select_n3A_688, %lt3A_705 : i32
        %convert_element_type3A_707 = arith.extui %lt3A_706 : i1 to i32
        %cond3A_708 = arith.constant 0 : i32
        %cond3A_709 = arith.cmpi ne, %convert_element_type3A_707, %cond3A_708 : i32
        scf.if %cond3A_709 {
          %dma_wait3A_715 = arith.constant 0 : i32
          %dma_wait3A_716 = arith.constant 0 : i32
          %dma_wait3A_717 = arith.constant 0 : i32
          %dma_wait3A_718 = arith.constant 0 : i32
          %dma_wait3A_719 = arith.constant 0 : i32
          %dma_wait3A_720 = tpu.memref_slice %arg9[%dma_wait3A_717, %dma_wait3A_718, %dma_wait3A_719] : memref<16x8x128xf32, #tpu.memory_space<vmem>> -> memref<16x8x128xf32, #tpu.memory_space<vmem>>
          %dma_wait3A_721 = arith.constant 0 : i32
          %dma_wait3A_722 = arith.constant 0 : i32
          %dma_wait3A_723 = arith.constant 0 : i32
          %dma_wait3A_724 = tpu.memref_slice %arg4[%dma_wait3A_715, %dma_wait3A_721, %dma_wait3A_716, %dma_wait3A_722, %dma_wait3A_723] : memref<50x125x8x8x128xf32, #tpu.memory_space<hbm>> -> memref<1x16x1x8x128xf32, #tpu.memory_space<hbm>>
          %dma_wait3A_725 = tpu.memref_squeeze %dma_wait3A_724 : memref<1x16x1x8x128xf32, #tpu.memory_space<hbm>> -> memref<16x8x128xf32, #tpu.memory_space<hbm>>
          %dma_wait3A_726 = arith.constant 0 : i32
          %dma_wait3A_727 = arith.constant 0 : i32
          %dma_wait3A_728 = arith.constant 0 : i32
          %dma_wait3A_729 = tpu.memref_slice %arg4[%dma_wait3A_715, %dma_wait3A_726, %dma_wait3A_716, %dma_wait3A_727, %dma_wait3A_728] : memref<50x125x8x8x128xf32, #tpu.memory_space<hbm>> -> memref<1x16x1x8x128xf32, #tpu.memory_space<hbm>>
          %dma_wait3A_730 = tpu.memref_squeeze %dma_wait3A_729 : memref<1x16x1x8x128xf32, #tpu.memory_space<hbm>> -> memref<16x8x128xf32, #tpu.memory_space<hbm>>
          %dma_wait3A_731 = arith.constant 0 : i32
          %dma_wait3A_732 = arith.constant 0 : i32
          %dma_wait3A_733 = arith.constant 0 : i32
          %dma_wait3A_734 = tpu.memref_slice %arg9[%dma_wait3A_731, %dma_wait3A_732, %dma_wait3A_733] : memref<16x8x128xf32, #tpu.memory_space<vmem>> -> memref<16x8x128xf32, #tpu.memory_space<vmem>>
          tpu.wait_dma2 semaphore(%arg12 : memref<!tpu.dma_semaphore, #tpu.memory_space<semaphore_mem>>) src(%dma_wait3A_734 : memref<16x8x128xf32, #tpu.memory_space<vmem>>) dst(%dma_wait3A_730 : memref<16x8x128xf32, #tpu.memory_space<hbm>>)
        } else {
        }
        %eq3A_710 = arith.constant 7 : i32
        %eq3A_711 = arith.cmpi eq, %select_n3A_688, %eq3A_710 : i32
        %convert_element_type3A_712 = arith.extui %eq3A_711 : i1 to i32
        %cond3A_713 = arith.constant 0 : i32
        %cond3A_714 = arith.cmpi ne, %convert_element_type3A_712, %cond3A_713 : i32
        scf.if %cond3A_714 {
          %dma_wait3A_715 = arith.constant 0 : i32
          %dma_wait3A_716 = arith.constant 0 : i32
          %dma_wait3A_717 = arith.constant 0 : i32
          %dma_wait3A_718 = arith.constant 0 : i32
          %dma_wait3A_719 = arith.constant 0 : i32
          %dma_wait3A_720 = tpu.memref_slice %arg9[%dma_wait3A_717, %dma_wait3A_718, %dma_wait3A_719] : memref<16x8x128xf32, #tpu.memory_space<vmem>> -> memref<13x8x128xf32, #tpu.memory_space<vmem>>
          %dma_wait3A_721 = arith.constant 0 : i32
          %dma_wait3A_722 = arith.constant 0 : i32
          %dma_wait3A_723 = arith.constant 0 : i32
          %dma_wait3A_724 = tpu.memref_slice %arg4[%dma_wait3A_715, %dma_wait3A_721, %dma_wait3A_716, %dma_wait3A_722, %dma_wait3A_723] : memref<50x125x8x8x128xf32, #tpu.memory_space<hbm>> -> memref<1x13x1x8x128xf32, #tpu.memory_space<hbm>>
          %dma_wait3A_725 = tpu.memref_squeeze %dma_wait3A_724 : memref<1x13x1x8x128xf32, #tpu.memory_space<hbm>> -> memref<13x8x128xf32, #tpu.memory_space<hbm>>
          %dma_wait3A_726 = arith.constant 0 : i32
          %dma_wait3A_727 = arith.constant 0 : i32
          %dma_wait3A_728 = arith.constant 0 : i32
          %dma_wait3A_729 = tpu.memref_slice %arg4[%dma_wait3A_715, %dma_wait3A_726, %dma_wait3A_716, %dma_wait3A_727, %dma_wait3A_728] : memref<50x125x8x8x128xf32, #tpu.memory_space<hbm>> -> memref<1x13x1x8x128xf32, #tpu.memory_space<hbm>>
          %dma_wait3A_730 = tpu.memref_squeeze %dma_wait3A_729 : memref<1x13x1x8x128xf32, #tpu.memory_space<hbm>> -> memref<13x8x128xf32, #tpu.memory_space<hbm>>
          %dma_wait3A_731 = arith.constant 0 : i32
          %dma_wait3A_732 = arith.constant 0 : i32
          %dma_wait3A_733 = arith.constant 0 : i32
          %dma_wait3A_734 = tpu.memref_slice %arg9[%dma_wait3A_731, %dma_wait3A_732, %dma_wait3A_733] : memref<16x8x128xf32, #tpu.memory_space<vmem>> -> memref<13x8x128xf32, #tpu.memory_space<vmem>>
          tpu.wait_dma2 semaphore(%arg13 : memref<!tpu.dma_semaphore, #tpu.memory_space<semaphore_mem>>) src(%dma_wait3A_734 : memref<13x8x128xf32, #tpu.memory_space<vmem>>) dst(%dma_wait3A_730 : memref<13x8x128xf32, #tpu.memory_space<hbm>>)
        } else {
        }
      } else {
      }
      %add3A_440 = arith.addi %mul3A_2, %add3A_422 : i32
      %jit3A_441 = arith.constant 64 : i32
      %div3A_442 = arith.divsi %add3A_440, %jit3A_441 : i32
      %sign3A_443 = arith.constant 0 : i32
      %sign3A_444 = arith.cmpi sgt, %add3A_440, %sign3A_443 : i32
      %sign3A_445 = arith.extui %sign3A_444 : i1 to i32
      %sign3A_446 = arith.constant 0 : i32
      %sign3A_447 = arith.cmpi slt, %add3A_440, %sign3A_446 : i32
      %sign3A_448 = arith.extui %sign3A_447 : i1 to i32
      %sign3A_449 = arith.subi %sign3A_445, %sign3A_448 : i32
      %sign3A_450 = arith.constant 0 : i32
      %sign3A_451 = arith.cmpi sgt, %jit3A_441, %sign3A_450 : i32
      %sign3A_452 = arith.extui %sign3A_451 : i1 to i32
      %sign3A_453 = arith.constant 0 : i32
      %sign3A_454 = arith.cmpi slt, %jit3A_441, %sign3A_453 : i32
      %sign3A_455 = arith.extui %sign3A_454 : i1 to i32
      %sign3A_456 = arith.subi %sign3A_452, %sign3A_455 : i32
      %ne3A_457 = arith.cmpi ne, %sign3A_449, %sign3A_456 : i32
      %rem3A_458 = arith.remsi %add3A_440, %jit3A_441 : i32
      %ne3A_459 = arith.constant 0 : i32
      %ne3A_460 = arith.cmpi ne, %rem3A_458, %ne3A_459 : i32
      %and3A_461 = arith.andi %ne3A_457, %ne3A_460 : i1
      %sub3A_462 = arith.constant 1 : i32
      %sub3A_463 = arith.subi %div3A_442, %sub3A_462 : i32
      %select_n3A_464 = arith.select %and3A_461, %sub3A_463, %div3A_442 : i32
      %jit3A_465 = arith.constant 8 : i32
      %div3A_466 = arith.divsi %add3A_440, %jit3A_465 : i32
      %sign3A_467 = arith.constant 0 : i32
      %sign3A_468 = arith.cmpi sgt, %add3A_440, %sign3A_467 : i32
      %sign3A_469 = arith.extui %sign3A_468 : i1 to i32
      %sign3A_470 = arith.constant 0 : i32
      %sign3A_471 = arith.cmpi slt, %add3A_440, %sign3A_470 : i32
      %sign3A_472 = arith.extui %sign3A_471 : i1 to i32
      %sign3A_473 = arith.subi %sign3A_469, %sign3A_472 : i32
      %sign3A_474 = arith.constant 0 : i32
      %sign3A_475 = arith.cmpi sgt, %jit3A_465, %sign3A_474 : i32
      %sign3A_476 = arith.extui %sign3A_475 : i1 to i32
      %sign3A_477 = arith.constant 0 : i32
      %sign3A_478 = arith.cmpi slt, %jit3A_465, %sign3A_477 : i32
      %sign3A_479 = arith.extui %sign3A_478 : i1 to i32
      %sign3A_480 = arith.subi %sign3A_476, %sign3A_479 : i32
      %ne3A_481 = arith.cmpi ne, %sign3A_473, %sign3A_480 : i32
      %rem3A_482 = arith.remsi %add3A_440, %jit3A_465 : i32
      %ne3A_483 = arith.constant 0 : i32
      %ne3A_484 = arith.cmpi ne, %rem3A_482, %ne3A_483 : i32
      %and3A_485 = arith.andi %ne3A_481, %ne3A_484 : i1
      %sub3A_486 = arith.constant 1 : i32
      %sub3A_487 = arith.subi %div3A_466, %sub3A_486 : i32
      %select_n3A_488 = arith.select %and3A_485, %sub3A_487, %div3A_466 : i32
      %jit3A_489 = arith.constant 8 : i32
      %eq3A_490 = arith.constant 0 : i32
      %eq3A_491 = arith.cmpi eq, %jit3A_489, %eq3A_490 : i32
      %jit3A_492 = arith.constant 1 : i32
      %select_n3A_493 = arith.select %eq3A_491, %jit3A_492, %jit3A_489 : i32
      %rem3A_494 = arith.remsi %select_n3A_488, %select_n3A_493 : i32
      %ne3A_495 = arith.constant 0 : i32
      %ne3A_496 = arith.cmpi ne, %rem3A_494, %ne3A_495 : i32
      %lt3A_497 = arith.constant 0 : i32
      %lt3A_498 = arith.cmpi slt, %rem3A_494, %lt3A_497 : i32
      %lt3A_499 = arith.constant 0 : i32
      %lt3A_500 = arith.cmpi slt, %select_n3A_493, %lt3A_499 : i32
      %ne3A_501 = arith.xori %lt3A_498, %lt3A_500 : i1
      %and3A_502 = arith.andi %ne3A_501, %ne3A_496 : i1
      %add3A_503 = arith.addi %rem3A_494, %select_n3A_493 : i32
      %select_n3A_504 = arith.select %and3A_502, %add3A_503, %rem3A_494 : i32
      %jit3A_505 = arith.constant 8 : i32
      %eq3A_506 = arith.constant 0 : i32
      %eq3A_507 = arith.cmpi eq, %jit3A_505, %eq3A_506 : i32
      %jit3A_508 = arith.constant 1 : i32
      %select_n3A_509 = arith.select %eq3A_507, %jit3A_508, %jit3A_505 : i32
      %rem3A_510 = arith.remsi %add3A_440, %select_n3A_509 : i32
      %ne3A_511 = arith.constant 0 : i32
      %ne3A_512 = arith.cmpi ne, %rem3A_510, %ne3A_511 : i32
      %lt3A_513 = arith.constant 0 : i32
      %lt3A_514 = arith.cmpi slt, %rem3A_510, %lt3A_513 : i32
      %lt3A_515 = arith.constant 0 : i32
      %lt3A_516 = arith.cmpi slt, %select_n3A_509, %lt3A_515 : i32
      %ne3A_517 = arith.xori %lt3A_514, %lt3A_516 : i1
      %and3A_518 = arith.andi %ne3A_517, %ne3A_512 : i1
      %add3A_519 = arith.addi %rem3A_510, %select_n3A_509 : i32
      %select_n3A_520 = arith.select %and3A_518, %add3A_519, %rem3A_510 : i32
      %lt3A_521 = arith.constant 7 : i32
      %lt3A_522 = arith.cmpi slt, %select_n3A_504, %lt3A_521 : i32
      %convert_element_type3A_523 = arith.extui %lt3A_522 : i1 to i32
      %cond3A_524 = arith.constant 0 : i32
      %cond3A_525 = arith.cmpi ne, %convert_element_type3A_523, %cond3A_524 : i32
      scf.if %cond3A_525 {
        %scan3A_622 = arith.constant 0 : i32
        %scan3A_623 = arith.constant 0 : i32
        %scan3A_624 = arith.constant 128 : i32
        %scan3A_625 = arith.addi %scan3A_623, %scan3A_624 : i32
        %scan3A_626 = arith.constant 1 : i32
        scf.for %scan3A_628 = %scan3A_623 to %scan3A_625 step %scan3A_626  : i32 {
          %jit3A_629 = arith.constant 8 : i32
          %div3A_630 = arith.divsi %scan3A_628, %jit3A_629 : i32
          %sign3A_631 = arith.constant 0 : i32
          %sign3A_632 = arith.cmpi sgt, %scan3A_628, %sign3A_631 : i32
          %sign3A_633 = arith.extui %sign3A_632 : i1 to i32
          %sign3A_634 = arith.constant 0 : i32
          %sign3A_635 = arith.cmpi slt, %scan3A_628, %sign3A_634 : i32
          %sign3A_636 = arith.extui %sign3A_635 : i1 to i32
          %sign3A_637 = arith.subi %sign3A_633, %sign3A_636 : i32
          %sign3A_638 = arith.constant 0 : i32
          %sign3A_639 = arith.cmpi sgt, %jit3A_629, %sign3A_638 : i32
          %sign3A_640 = arith.extui %sign3A_639 : i1 to i32
          %sign3A_641 = arith.constant 0 : i32
          %sign3A_642 = arith.cmpi slt, %jit3A_629, %sign3A_641 : i32
          %sign3A_643 = arith.extui %sign3A_642 : i1 to i32
          %sign3A_644 = arith.subi %sign3A_640, %sign3A_643 : i32
          %ne3A_645 = arith.cmpi ne, %sign3A_637, %sign3A_644 : i32
          %rem3A_646 = arith.remsi %scan3A_628, %jit3A_629 : i32
          %ne3A_647 = arith.constant 0 : i32
          %ne3A_648 = arith.cmpi ne, %rem3A_646, %ne3A_647 : i32
          %and3A_649 = arith.andi %ne3A_645, %ne3A_648 : i1
          %sub3A_650 = arith.constant 1 : i32
          %sub3A_651 = arith.subi %div3A_630, %sub3A_650 : i32
          %select_n3A_652 = arith.select %and3A_649, %sub3A_651, %div3A_630 : i32
          %jit3A_653 = arith.constant 8 : i32
          %eq3A_654 = arith.constant 0 : i32
          %eq3A_655 = arith.cmpi eq, %jit3A_653, %eq3A_654 : i32
          %jit3A_656 = arith.constant 1 : i32
          %select_n3A_657 = arith.select %eq3A_655, %jit3A_656, %jit3A_653 : i32
          %rem3A_658 = arith.remsi %scan3A_628, %select_n3A_657 : i32
          %ne3A_659 = arith.constant 0 : i32
          %ne3A_660 = arith.cmpi ne, %rem3A_658, %ne3A_659 : i32
          %lt3A_661 = arith.constant 0 : i32
          %lt3A_662 = arith.cmpi slt, %rem3A_658, %lt3A_661 : i32
          %lt3A_663 = arith.constant 0 : i32
          %lt3A_664 = arith.cmpi slt, %select_n3A_657, %lt3A_663 : i32
          %ne3A_665 = arith.xori %lt3A_662, %lt3A_664 : i1
          %and3A_666 = arith.andi %ne3A_665, %ne3A_660 : i1
          %add3A_667 = arith.addi %rem3A_658, %select_n3A_657 : i32
          %select_n3A_668 = arith.select %and3A_666, %add3A_667, %rem3A_658 : i32
          %broadcast_in_dim3A = vector.broadcast %scan3A_628 : i32 to vector<16xi32>
          %gather3A = tpu.vector_load_idx %arg7[%add3A_7, %broadcast_in_dim3A] : memref<128x128xf32, #tpu.memory_space<vmem>>[vector<16xi32>, vector<16xi32>], vector<16xf32>,
          %swap3A = arith.index_cast %select_n3A_652 : i32 to index
          %swap3A_669 = arith.index_cast %select_n3A_668 : i32 to index
          %swap3A_670 = arith.constant 0 : index
          %swap3A_671 = tpu.vector_load %arg9[%swap3A, %swap3A_669, %swap3A_670] {strides = array<i32>} : memref<16x8x128xf32, #tpu.memory_space<vmem>>, vector<16xf32>,
          tpu.vector_store %arg9[%swap3A, %swap3A_669, %swap3A_670], %gather3A {strides = array<i32>} : memref<16x8x128xf32, #tpu.memory_space<vmem>>, vector<16xf32>,
          %gather3A_672 = tpu.vector_load_idx %arg7[%add3A_11, %broadcast_in_dim3A] : memref<128x128xf32, #tpu.memory_space<vmem>>[vector<16xi32>, vector<16xi32>], vector<16xf32>,
          %swap3A_673 = arith.index_cast %select_n3A_652 : i32 to index
          %swap3A_674 = arith.index_cast %select_n3A_668 : i32 to index
          %swap3A_675 = arith.constant 16 : index
          %swap3A_676 = tpu.vector_load %arg9[%swap3A_673, %swap3A_674, %swap3A_675] {strides = array<i32>} : memref<16x8x128xf32, #tpu.memory_space<vmem>>, vector<16xf32>,
          tpu.vector_store %arg9[%swap3A_673, %swap3A_674, %swap3A_675], %gather3A_672 {strides = array<i32>} : memref<16x8x128xf32, #tpu.memory_space<vmem>>, vector<16xf32>,
          %gather3A_677 = tpu.vector_load_idx %arg7[%add3A_15, %broadcast_in_dim3A] : memref<128x128xf32, #tpu.memory_space<vmem>>[vector<16xi32>, vector<16xi32>], vector<16xf32>,
          %swap3A_678 = arith.index_cast %select_n3A_652 : i32 to index
          %swap3A_679 = arith.index_cast %select_n3A_668 : i32 to index
          %swap3A_680 = arith.constant 32 : index
          %swap3A_681 = tpu.vector_load %arg9[%swap3A_678, %swap3A_679, %swap3A_680] {strides = array<i32>} : memref<16x8x128xf32, #tpu.memory_space<vmem>>, vector<16xf32>,
          tpu.vector_store %arg9[%swap3A_678, %swap3A_679, %swap3A_680], %gather3A_677 {strides = array<i32>} : memref<16x8x128xf32, #tpu.memory_space<vmem>>, vector<16xf32>,
          %gather3A_682 = tpu.vector_load_idx %arg7[%add3A_19, %broadcast_in_dim3A] : memref<128x128xf32, #tpu.memory_space<vmem>>[vector<16xi32>, vector<16xi32>], vector<16xf32>,
          %swap3A_683 = arith.index_cast %select_n3A_652 : i32 to index
          %swap3A_684 = arith.index_cast %select_n3A_668 : i32 to index
          %swap3A_685 = arith.constant 48 : index
          %swap3A_686 = tpu.vector_load %arg9[%swap3A_683, %swap3A_684, %swap3A_685] {strides = array<i32>} : memref<16x8x128xf32, #tpu.memory_space<vmem>>, vector<16xf32>,
          tpu.vector_store %arg9[%swap3A_683, %swap3A_684, %swap3A_685], %gather3A_682 {strides = array<i32>} : memref<16x8x128xf32, #tpu.memory_space<vmem>>, vector<16xf32>,
          %gather3A_687 = tpu.vector_load_idx %arg7[%add3A_23, %broadcast_in_dim3A] : memref<128x128xf32, #tpu.memory_space<vmem>>[vector<16xi32>, vector<16xi32>], vector<16xf32>,
          %swap3A_688 = arith.index_cast %select_n3A_652 : i32 to index
          %swap3A_689 = arith.index_cast %select_n3A_668 : i32 to index
          %swap3A_690 = arith.constant 64 : index
          %swap3A_691 = tpu.vector_load %arg9[%swap3A_688, %swap3A_689, %swap3A_690] {strides = array<i32>} : memref<16x8x128xf32, #tpu.memory_space<vmem>>, vector<16xf32>,
          tpu.vector_store %arg9[%swap3A_688, %swap3A_689, %swap3A_690], %gather3A_687 {strides = array<i32>} : memref<16x8x128xf32, #tpu.memory_space<vmem>>, vector<16xf32>,
          %gather3A_692 = tpu.vector_load_idx %arg7[%add3A_27, %broadcast_in_dim3A] : memref<128x128xf32, #tpu.memory_space<vmem>>[vector<16xi32>, vector<16xi32>], vector<16xf32>,
          %swap3A_693 = arith.index_cast %select_n3A_652 : i32 to index
          %swap3A_694 = arith.index_cast %select_n3A_668 : i32 to index
          %swap3A_695 = arith.constant 80 : index
          %swap3A_696 = tpu.vector_load %arg9[%swap3A_693, %swap3A_694, %swap3A_695] {strides = array<i32>} : memref<16x8x128xf32, #tpu.memory_space<vmem>>, vector<16xf32>,
          tpu.vector_store %arg9[%swap3A_693, %swap3A_694, %swap3A_695], %gather3A_692 {strides = array<i32>} : memref<16x8x128xf32, #tpu.memory_space<vmem>>, vector<16xf32>,
          %gather3A_697 = tpu.vector_load_idx %arg7[%add3A_31, %broadcast_in_dim3A] : memref<128x128xf32, #tpu.memory_space<vmem>>[vector<16xi32>, vector<16xi32>], vector<16xf32>,
          %swap3A_698 = arith.index_cast %select_n3A_652 : i32 to index
          %swap3A_699 = arith.index_cast %select_n3A_668 : i32 to index
          %swap3A_700 = arith.constant 96 : index
          %swap3A_701 = tpu.vector_load %arg9[%swap3A_698, %swap3A_699, %swap3A_700] {strides = array<i32>} : memref<16x8x128xf32, #tpu.memory_space<vmem>>, vector<16xf32>,
          tpu.vector_store %arg9[%swap3A_698, %swap3A_699, %swap3A_700], %gather3A_697 {strides = array<i32>} : memref<16x8x128xf32, #tpu.memory_space<vmem>>, vector<16xf32>,
          %gather3A_702 = tpu.vector_load_idx %arg7[%add3A_35, %broadcast_in_dim3A] : memref<128x128xf32, #tpu.memory_space<vmem>>[vector<16xi32>, vector<16xi32>], vector<16xf32>,
          %swap3A_703 = arith.index_cast %select_n3A_652 : i32 to index
          %swap3A_704 = arith.index_cast %select_n3A_668 : i32 to index
          %swap3A_705 = arith.constant 112 : index
          %swap3A_706 = tpu.vector_load %arg9[%swap3A_703, %swap3A_704, %swap3A_705] {strides = array<i32>} : memref<16x8x128xf32, #tpu.memory_space<vmem>>, vector<16xf32>,
          tpu.vector_store %arg9[%swap3A_703, %swap3A_704, %swap3A_705], %gather3A_702 {strides = array<i32>} : memref<16x8x128xf32, #tpu.memory_space<vmem>>, vector<16xf32>,
        }
        %scan3A_627 = arith.constant 128 : i32
      } else {
      }
      %eq3A_526 = arith.constant 7 : i32
      %eq3A_527 = arith.cmpi eq, %select_n3A_504, %eq3A_526 : i32
      %convert_element_type3A_528 = arith.extui %eq3A_527 : i1 to i32
      %cond3A_529 = arith.constant 0 : i32
      %cond3A_530 = arith.cmpi ne, %convert_element_type3A_528, %cond3A_529 : i32
      scf.if %cond3A_530 {
        %scan3A_622 = arith.constant 0 : i32
        %scan3A_623 = arith.constant 0 : i32
        %scan3A_624 = arith.constant 104 : i32
        %scan3A_625 = arith.addi %scan3A_623, %scan3A_624 : i32
        %scan3A_626 = arith.constant 1 : i32
        scf.for %scan3A_628 = %scan3A_623 to %scan3A_625 step %scan3A_626  : i32 {
          %jit3A_629 = arith.constant 8 : i32
          %div3A_630 = arith.divsi %scan3A_628, %jit3A_629 : i32
          %sign3A_631 = arith.constant 0 : i32
          %sign3A_632 = arith.cmpi sgt, %scan3A_628, %sign3A_631 : i32
          %sign3A_633 = arith.extui %sign3A_632 : i1 to i32
          %sign3A_634 = arith.constant 0 : i32
          %sign3A_635 = arith.cmpi slt, %scan3A_628, %sign3A_634 : i32
          %sign3A_636 = arith.extui %sign3A_635 : i1 to i32
          %sign3A_637 = arith.subi %sign3A_633, %sign3A_636 : i32
          %sign3A_638 = arith.constant 0 : i32
          %sign3A_639 = arith.cmpi sgt, %jit3A_629, %sign3A_638 : i32
          %sign3A_640 = arith.extui %sign3A_639 : i1 to i32
          %sign3A_641 = arith.constant 0 : i32
          %sign3A_642 = arith.cmpi slt, %jit3A_629, %sign3A_641 : i32
          %sign3A_643 = arith.extui %sign3A_642 : i1 to i32
          %sign3A_644 = arith.subi %sign3A_640, %sign3A_643 : i32
          %ne3A_645 = arith.cmpi ne, %sign3A_637, %sign3A_644 : i32
          %rem3A_646 = arith.remsi %scan3A_628, %jit3A_629 : i32
          %ne3A_647 = arith.constant 0 : i32
          %ne3A_648 = arith.cmpi ne, %rem3A_646, %ne3A_647 : i32
          %and3A_649 = arith.andi %ne3A_645, %ne3A_648 : i1
          %sub3A_650 = arith.constant 1 : i32
          %sub3A_651 = arith.subi %div3A_630, %sub3A_650 : i32
          %select_n3A_652 = arith.select %and3A_649, %sub3A_651, %div3A_630 : i32
          %jit3A_653 = arith.constant 8 : i32
          %eq3A_654 = arith.constant 0 : i32
          %eq3A_655 = arith.cmpi eq, %jit3A_653, %eq3A_654 : i32
          %jit3A_656 = arith.constant 1 : i32
          %select_n3A_657 = arith.select %eq3A_655, %jit3A_656, %jit3A_653 : i32
          %rem3A_658 = arith.remsi %scan3A_628, %select_n3A_657 : i32
          %ne3A_659 = arith.constant 0 : i32
          %ne3A_660 = arith.cmpi ne, %rem3A_658, %ne3A_659 : i32
          %lt3A_661 = arith.constant 0 : i32
          %lt3A_662 = arith.cmpi slt, %rem3A_658, %lt3A_661 : i32
          %lt3A_663 = arith.constant 0 : i32
          %lt3A_664 = arith.cmpi slt, %select_n3A_657, %lt3A_663 : i32
          %ne3A_665 = arith.xori %lt3A_662, %lt3A_664 : i1
          %and3A_666 = arith.andi %ne3A_665, %ne3A_660 : i1
          %add3A_667 = arith.addi %rem3A_658, %select_n3A_657 : i32
          %select_n3A_668 = arith.select %and3A_666, %add3A_667, %rem3A_658 : i32
          %broadcast_in_dim3A = vector.broadcast %scan3A_628 : i32 to vector<16xi32>
          %gather3A = tpu.vector_load_idx %arg7[%add3A_7, %broadcast_in_dim3A] : memref<128x128xf32, #tpu.memory_space<vmem>>[vector<16xi32>, vector<16xi32>], vector<16xf32>,
          %swap3A = arith.index_cast %select_n3A_652 : i32 to index
          %swap3A_669 = arith.index_cast %select_n3A_668 : i32 to index
          %swap3A_670 = arith.constant 0 : index
          %swap3A_671 = tpu.vector_load %arg9[%swap3A, %swap3A_669, %swap3A_670] {strides = array<i32>} : memref<16x8x128xf32, #tpu.memory_space<vmem>>, vector<16xf32>,
          tpu.vector_store %arg9[%swap3A, %swap3A_669, %swap3A_670], %gather3A {strides = array<i32>} : memref<16x8x128xf32, #tpu.memory_space<vmem>>, vector<16xf32>,
          %gather3A_672 = tpu.vector_load_idx %arg7[%add3A_11, %broadcast_in_dim3A] : memref<128x128xf32, #tpu.memory_space<vmem>>[vector<16xi32>, vector<16xi32>], vector<16xf32>,
          %swap3A_673 = arith.index_cast %select_n3A_652 : i32 to index
          %swap3A_674 = arith.index_cast %select_n3A_668 : i32 to index
          %swap3A_675 = arith.constant 16 : index
          %swap3A_676 = tpu.vector_load %arg9[%swap3A_673, %swap3A_674, %swap3A_675] {strides = array<i32>} : memref<16x8x128xf32, #tpu.memory_space<vmem>>, vector<16xf32>,
          tpu.vector_store %arg9[%swap3A_673, %swap3A_674, %swap3A_675], %gather3A_672 {strides = array<i32>} : memref<16x8x128xf32, #tpu.memory_space<vmem>>, vector<16xf32>,
          %gather3A_677 = tpu.vector_load_idx %arg7[%add3A_15, %broadcast_in_dim3A] : memref<128x128xf32, #tpu.memory_space<vmem>>[vector<16xi32>, vector<16xi32>], vector<16xf32>,
          %swap3A_678 = arith.index_cast %select_n3A_652 : i32 to index
          %swap3A_679 = arith.index_cast %select_n3A_668 : i32 to index
          %swap3A_680 = arith.constant 32 : index
          %swap3A_681 = tpu.vector_load %arg9[%swap3A_678, %swap3A_679, %swap3A_680] {strides = array<i32>} : memref<16x8x128xf32, #tpu.memory_space<vmem>>, vector<16xf32>,
          tpu.vector_store %arg9[%swap3A_678, %swap3A_679, %swap3A_680], %gather3A_677 {strides = array<i32>} : memref<16x8x128xf32, #tpu.memory_space<vmem>>, vector<16xf32>,
          %gather3A_682 = tpu.vector_load_idx %arg7[%add3A_19, %broadcast_in_dim3A] : memref<128x128xf32, #tpu.memory_space<vmem>>[vector<16xi32>, vector<16xi32>], vector<16xf32>,
          %swap3A_683 = arith.index_cast %select_n3A_652 : i32 to index
          %swap3A_684 = arith.index_cast %select_n3A_668 : i32 to index
          %swap3A_685 = arith.constant 48 : index
          %swap3A_686 = tpu.vector_load %arg9[%swap3A_683, %swap3A_684, %swap3A_685] {strides = array<i32>} : memref<16x8x128xf32, #tpu.memory_space<vmem>>, vector<16xf32>,
          tpu.vector_store %arg9[%swap3A_683, %swap3A_684, %swap3A_685], %gather3A_682 {strides = array<i32>} : memref<16x8x128xf32, #tpu.memory_space<vmem>>, vector<16xf32>,
          %gather3A_687 = tpu.vector_load_idx %arg7[%add3A_23, %broadcast_in_dim3A] : memref<128x128xf32, #tpu.memory_space<vmem>>[vector<16xi32>, vector<16xi32>], vector<16xf32>,
          %swap3A_688 = arith.index_cast %select_n3A_652 : i32 to index
          %swap3A_689 = arith.index_cast %select_n3A_668 : i32 to index
          %swap3A_690 = arith.constant 64 : index
          %swap3A_691 = tpu.vector_load %arg9[%swap3A_688, %swap3A_689, %swap3A_690] {strides = array<i32>} : memref<16x8x128xf32, #tpu.memory_space<vmem>>, vector<16xf32>,
          tpu.vector_store %arg9[%swap3A_688, %swap3A_689, %swap3A_690], %gather3A_687 {strides = array<i32>} : memref<16x8x128xf32, #tpu.memory_space<vmem>>, vector<16xf32>,
          %gather3A_692 = tpu.vector_load_idx %arg7[%add3A_27, %broadcast_in_dim3A] : memref<128x128xf32, #tpu.memory_space<vmem>>[vector<16xi32>, vector<16xi32>], vector<16xf32>,
          %swap3A_693 = arith.index_cast %select_n3A_652 : i32 to index
          %swap3A_694 = arith.index_cast %select_n3A_668 : i32 to index
          %swap3A_695 = arith.constant 80 : index
          %swap3A_696 = tpu.vector_load %arg9[%swap3A_693, %swap3A_694, %swap3A_695] {strides = array<i32>} : memref<16x8x128xf32, #tpu.memory_space<vmem>>, vector<16xf32>,
          tpu.vector_store %arg9[%swap3A_693, %swap3A_694, %swap3A_695], %gather3A_692 {strides = array<i32>} : memref<16x8x128xf32, #tpu.memory_space<vmem>>, vector<16xf32>,
          %gather3A_697 = tpu.vector_load_idx %arg7[%add3A_31, %broadcast_in_dim3A] : memref<128x128xf32, #tpu.memory_space<vmem>>[vector<16xi32>, vector<16xi32>], vector<16xf32>,
          %swap3A_698 = arith.index_cast %select_n3A_652 : i32 to index
          %swap3A_699 = arith.index_cast %select_n3A_668 : i32 to index
          %swap3A_700 = arith.constant 96 : index
          %swap3A_701 = tpu.vector_load %arg9[%swap3A_698, %swap3A_699, %swap3A_700] {strides = array<i32>} : memref<16x8x128xf32, #tpu.memory_space<vmem>>, vector<16xf32>,
          tpu.vector_store %arg9[%swap3A_698, %swap3A_699, %swap3A_700], %gather3A_697 {strides = array<i32>} : memref<16x8x128xf32, #tpu.memory_space<vmem>>, vector<16xf32>,
          %gather3A_702 = tpu.vector_load_idx %arg7[%add3A_35, %broadcast_in_dim3A] : memref<128x128xf32, #tpu.memory_space<vmem>>[vector<16xi32>, vector<16xi32>], vector<16xf32>,
          %swap3A_703 = arith.index_cast %select_n3A_652 : i32 to index
          %swap3A_704 = arith.index_cast %select_n3A_668 : i32 to index
          %swap3A_705 = arith.constant 112 : index
          %swap3A_706 = tpu.vector_load %arg9[%swap3A_703, %swap3A_704, %swap3A_705] {strides = array<i32>} : memref<16x8x128xf32, #tpu.memory_space<vmem>>, vector<16xf32>,
          tpu.vector_store %arg9[%swap3A_703, %swap3A_704, %swap3A_705], %gather3A_702 {strides = array<i32>} : memref<16x8x128xf32, #tpu.memory_space<vmem>>, vector<16xf32>,
        }
        %scan3A_627 = arith.constant 104 : i32
      } else {
      }
      %add3A_531 = arith.addi %mul3A_2, %add3A_422 : i32
      %jit3A_532 = arith.constant 64 : i32
      %div3A_533 = arith.divsi %add3A_531, %jit3A_532 : i32
      %sign3A_534 = arith.constant 0 : i32
      %sign3A_535 = arith.cmpi sgt, %add3A_531, %sign3A_534 : i32
      %sign3A_536 = arith.extui %sign3A_535 : i1 to i32
      %sign3A_537 = arith.constant 0 : i32
      %sign3A_538 = arith.cmpi slt, %add3A_531, %sign3A_537 : i32
      %sign3A_539 = arith.extui %sign3A_538 : i1 to i32
      %sign3A_540 = arith.subi %sign3A_536, %sign3A_539 : i32
      %sign3A_541 = arith.constant 0 : i32
      %sign3A_542 = arith.cmpi sgt, %jit3A_532, %sign3A_541 : i32
      %sign3A_543 = arith.extui %sign3A_542 : i1 to i32
      %sign3A_544 = arith.constant 0 : i32
      %sign3A_545 = arith.cmpi slt, %jit3A_532, %sign3A_544 : i32
      %sign3A_546 = arith.extui %sign3A_545 : i1 to i32
      %sign3A_547 = arith.subi %sign3A_543, %sign3A_546 : i32
      %ne3A_548 = arith.cmpi ne, %sign3A_540, %sign3A_547 : i32
      %rem3A_549 = arith.remsi %add3A_531, %jit3A_532 : i32
      %ne3A_550 = arith.constant 0 : i32
      %ne3A_551 = arith.cmpi ne, %rem3A_549, %ne3A_550 : i32
      %and3A_552 = arith.andi %ne3A_548, %ne3A_551 : i1
      %sub3A_553 = arith.constant 1 : i32
      %sub3A_554 = arith.subi %div3A_533, %sub3A_553 : i32
      %select_n3A_555 = arith.select %and3A_552, %sub3A_554, %div3A_533 : i32
      %jit3A_556 = arith.constant 8 : i32
      %div3A_557 = arith.divsi %add3A_531, %jit3A_556 : i32
      %sign3A_558 = arith.constant 0 : i32
      %sign3A_559 = arith.cmpi sgt, %add3A_531, %sign3A_558 : i32
      %sign3A_560 = arith.extui %sign3A_559 : i1 to i32
      %sign3A_561 = arith.constant 0 : i32
      %sign3A_562 = arith.cmpi slt, %add3A_531, %sign3A_561 : i32
      %sign3A_563 = arith.extui %sign3A_562 : i1 to i32
      %sign3A_564 = arith.subi %sign3A_560, %sign3A_563 : i32
      %sign3A_565 = arith.constant 0 : i32
      %sign3A_566 = arith.cmpi sgt, %jit3A_556, %sign3A_565 : i32
      %sign3A_567 = arith.extui %sign3A_566 : i1 to i32
      %sign3A_568 = arith.constant 0 : i32
      %sign3A_569 = arith.cmpi slt, %jit3A_556, %sign3A_568 : i32
      %sign3A_570 = arith.extui %sign3A_569 : i1 to i32
      %sign3A_571 = arith.subi %sign3A_567, %sign3A_570 : i32
      %ne3A_572 = arith.cmpi ne, %sign3A_564, %sign3A_571 : i32
      %rem3A_573 = arith.remsi %add3A_531, %jit3A_556 : i32
      %ne3A_574 = arith.constant 0 : i32
      %ne3A_575 = arith.cmpi ne, %rem3A_573, %ne3A_574 : i32
      %and3A_576 = arith.andi %ne3A_572, %ne3A_575 : i1
      %sub3A_577 = arith.constant 1 : i32
      %sub3A_578 = arith.subi %div3A_557, %sub3A_577 : i32
      %select_n3A_579 = arith.select %and3A_576, %sub3A_578, %div3A_557 : i32
      %jit3A_580 = arith.constant 8 : i32
      %eq3A_581 = arith.constant 0 : i32
      %eq3A_582 = arith.cmpi eq, %jit3A_580, %eq3A_581 : i32
      %jit3A_583 = arith.constant 1 : i32
      %select_n3A_584 = arith.select %eq3A_582, %jit3A_583, %jit3A_580 : i32
      %rem3A_585 = arith.remsi %select_n3A_579, %select_n3A_584 : i32
      %ne3A_586 = arith.constant 0 : i32
      %ne3A_587 = arith.cmpi ne, %rem3A_585, %ne3A_586 : i32
      %lt3A_588 = arith.constant 0 : i32
      %lt3A_589 = arith.cmpi slt, %rem3A_585, %lt3A_588 : i32
      %lt3A_590 = arith.constant 0 : i32
      %lt3A_591 = arith.cmpi slt, %select_n3A_584, %lt3A_590 : i32
      %ne3A_592 = arith.xori %lt3A_589, %lt3A_591 : i1
      %and3A_593 = arith.andi %ne3A_592, %ne3A_587 : i1
      %add3A_594 = arith.addi %rem3A_585, %select_n3A_584 : i32
      %select_n3A_595 = arith.select %and3A_593, %add3A_594, %rem3A_585 : i32
      %jit3A_596 = arith.constant 8 : i32
      %eq3A_597 = arith.constant 0 : i32
      %eq3A_598 = arith.cmpi eq, %jit3A_596, %eq3A_597 : i32
      %jit3A_599 = arith.constant 1 : i32
      %select_n3A_600 = arith.select %eq3A_598, %jit3A_599, %jit3A_596 : i32
      %rem3A_601 = arith.remsi %add3A_531, %select_n3A_600 : i32
      %ne3A_602 = arith.constant 0 : i32
      %ne3A_603 = arith.cmpi ne, %rem3A_601, %ne3A_602 : i32
      %lt3A_604 = arith.constant 0 : i32
      %lt3A_605 = arith.cmpi slt, %rem3A_601, %lt3A_604 : i32
      %lt3A_606 = arith.constant 0 : i32
      %lt3A_607 = arith.cmpi slt, %select_n3A_600, %lt3A_606 : i32
      %ne3A_608 = arith.xori %lt3A_605, %lt3A_607 : i1
      %and3A_609 = arith.andi %ne3A_608, %ne3A_603 : i1
      %add3A_610 = arith.addi %rem3A_601, %select_n3A_600 : i32
      %select_n3A_611 = arith.select %and3A_609, %add3A_610, %rem3A_601 : i32
      %lt3A_612 = arith.constant 7 : i32
      %lt3A_613 = arith.cmpi slt, %select_n3A_595, %lt3A_612 : i32
      %convert_element_type3A_614 = arith.extui %lt3A_613 : i1 to i32
      %cond3A_615 = arith.constant 0 : i32
      %cond3A_616 = arith.cmpi ne, %convert_element_type3A_614, %cond3A_615 : i32
      scf.if %cond3A_616 {
        %mul3A_622 = arith.constant 16 : i32
        %mul3A_623 = arith.muli %select_n3A_595, %mul3A_622 : i32
        %dma_start3A_624 = arith.constant 0 : i32
        %dma_start3A_625 = arith.constant 0 : i32
        %dma_start3A_626 = arith.constant 0 : i32
        %dma_start3A_627 = tpu.memref_slice %arg9[%dma_start3A_624, %dma_start3A_625, %dma_start3A_626] : memref<16x8x128xf32, #tpu.memory_space<vmem>> -> memref<16x8x128xf32, #tpu.memory_space<vmem>>
        %dma_start3A_628 = arith.constant 0 : i32
        %dma_start3A_629 = arith.constant 0 : i32
        %dma_start3A_630 = tpu.memref_slice %arg4[%select_n3A_555, %mul3A_623, %select_n3A_611, %dma_start3A_628, %dma_start3A_629] : memref<50x125x8x8x128xf32, #tpu.memory_space<hbm>> -> memref<1x16x1x8x128xf32, #tpu.memory_space<hbm>>
        %dma_start3A_631 = tpu.memref_squeeze %dma_start3A_630 : memref<1x16x1x8x128xf32, #tpu.memory_space<hbm>> -> memref<16x8x128xf32, #tpu.memory_space<hbm>>
        %dma_start3A_632 = arith.constant 0 : i32
        %dma_start3A_633 = arith.constant 0 : i32
        %dma_start3A_634 = tpu.memref_slice %arg4[%select_n3A_555, %mul3A_623, %select_n3A_611, %dma_start3A_632, %dma_start3A_633] : memref<50x125x8x8x128xf32, #tpu.memory_space<hbm>> -> memref<1x16x1x8x128xf32, #tpu.memory_space<hbm>>
        %dma_start3A_635 = tpu.memref_squeeze %dma_start3A_634 : memref<1x16x1x8x128xf32, #tpu.memory_space<hbm>> -> memref<16x8x128xf32, #tpu.memory_space<hbm>>
        %dma_start3A_636 = arith.constant 0 : i32
        %dma_start3A_637 = arith.constant 0 : i32
        %dma_start3A_638 = arith.constant 0 : i32
        %dma_start3A_639 = tpu.memref_slice %arg9[%dma_start3A_636, %dma_start3A_637, %dma_start3A_638] : memref<16x8x128xf32, #tpu.memory_space<vmem>> -> memref<16x8x128xf32, #tpu.memory_space<vmem>>
        tpu.enqueue_dma source(%dma_start3A_639 : memref<16x8x128xf32, #tpu.memory_space<vmem>>) target(%dma_start3A_635 : memref<16x8x128xf32, #tpu.memory_space<hbm>>) target_semaphore(%arg12 : memref<!tpu.dma_semaphore, #tpu.memory_space<semaphore_mem>>)
      } else {
      }
      %eq3A_617 = arith.constant 7 : i32
      %eq3A_618 = arith.cmpi eq, %select_n3A_595, %eq3A_617 : i32
      %convert_element_type3A_619 = arith.extui %eq3A_618 : i1 to i32
      %cond3A_620 = arith.constant 0 : i32
      %cond3A_621 = arith.cmpi ne, %convert_element_type3A_619, %cond3A_620 : i32
      scf.if %cond3A_621 {
        %dma_start3A_622 = arith.constant 0 : i32
        %dma_start3A_623 = arith.constant 0 : i32
        %dma_start3A_624 = arith.constant 0 : i32
        %dma_start3A_625 = tpu.memref_slice %arg9[%dma_start3A_622, %dma_start3A_623, %dma_start3A_624] : memref<16x8x128xf32, #tpu.memory_space<vmem>> -> memref<13x8x128xf32, #tpu.memory_space<vmem>>
        %dma_start3A_626 = arith.constant 112 : i32
        %dma_start3A_627 = arith.constant 0 : i32
        %dma_start3A_628 = arith.constant 0 : i32
        %dma_start3A_629 = tpu.memref_slice %arg4[%select_n3A_555, %dma_start3A_626, %select_n3A_611, %dma_start3A_627, %dma_start3A_628] : memref<50x125x8x8x128xf32, #tpu.memory_space<hbm>> -> memref<1x13x1x8x128xf32, #tpu.memory_space<hbm>>
        %dma_start3A_630 = tpu.memref_squeeze %dma_start3A_629 : memref<1x13x1x8x128xf32, #tpu.memory_space<hbm>> -> memref<13x8x128xf32, #tpu.memory_space<hbm>>
        %dma_start3A_631 = arith.constant 112 : i32
        %dma_start3A_632 = arith.constant 0 : i32
        %dma_start3A_633 = arith.constant 0 : i32
        %dma_start3A_634 = tpu.memref_slice %arg4[%select_n3A_555, %dma_start3A_631, %select_n3A_611, %dma_start3A_632, %dma_start3A_633] : memref<50x125x8x8x128xf32, #tpu.memory_space<hbm>> -> memref<1x13x1x8x128xf32, #tpu.memory_space<hbm>>
        %dma_start3A_635 = tpu.memref_squeeze %dma_start3A_634 : memref<1x13x1x8x128xf32, #tpu.memory_space<hbm>> -> memref<13x8x128xf32, #tpu.memory_space<hbm>>
        %dma_start3A_636 = arith.constant 0 : i32
        %dma_start3A_637 = arith.constant 0 : i32
        %dma_start3A_638 = arith.constant 0 : i32
        %dma_start3A_639 = tpu.memref_slice %arg9[%dma_start3A_636, %dma_start3A_637, %dma_start3A_638] : memref<16x8x128xf32, #tpu.memory_space<vmem>> -> memref<13x8x128xf32, #tpu.memory_space<vmem>>
        tpu.enqueue_dma source(%dma_start3A_639 : memref<13x8x128xf32, #tpu.memory_space<vmem>>) target(%dma_start3A_635 : memref<13x8x128xf32, #tpu.memory_space<hbm>>) target_semaphore(%arg13 : memref<!tpu.dma_semaphore, #tpu.memory_space<semaphore_mem>>)
      } else {
      }
    }
    %scan3A_44 = arith.constant 50 : i32
    %add3A_45 = arith.constant 98 : i32
    %add3A_46 = arith.addi %mul3A_2, %add3A_45 : i32
    %jit3A = arith.constant 64 : i32
    %div3A = arith.divsi %add3A_46, %jit3A : i32
    %sign3A = arith.constant 0 : i32
    %sign3A_47 = arith.cmpi sgt, %add3A_46, %sign3A : i32
    %sign3A_48 = arith.extui %sign3A_47 : i1 to i32
    %sign3A_49 = arith.constant 0 : i32
    %sign3A_50 = arith.cmpi slt, %add3A_46, %sign3A_49 : i32
    %sign3A_51 = arith.extui %sign3A_50 : i1 to i32
    %sign3A_52 = arith.subi %sign3A_48, %sign3A_51 : i32
    %sign3A_53 = arith.constant 0 : i32
    %sign3A_54 = arith.cmpi sgt, %jit3A, %sign3A_53 : i32
    %sign3A_55 = arith.extui %sign3A_54 : i1 to i32
    %sign3A_56 = arith.constant 0 : i32
    %sign3A_57 = arith.cmpi slt, %jit3A, %sign3A_56 : i32
    %sign3A_58 = arith.extui %sign3A_57 : i1 to i32
    %sign3A_59 = arith.subi %sign3A_55, %sign3A_58 : i32
    %ne3A = arith.cmpi ne, %sign3A_52, %sign3A_59 : i32
    %rem3A = arith.remsi %add3A_46, %jit3A : i32
    %ne3A_60 = arith.constant 0 : i32
    %ne3A_61 = arith.cmpi ne, %rem3A, %ne3A_60 : i32
    %and3A = arith.andi %ne3A, %ne3A_61 : i1
    %sub3A = arith.constant 1 : i32
    %sub3A_62 = arith.subi %div3A, %sub3A : i32
    %select_n3A = arith.select %and3A, %sub3A_62, %div3A : i32
    %jit3A_63 = arith.constant 8 : i32
    %div3A_64 = arith.divsi %add3A_46, %jit3A_63 : i32
    %sign3A_65 = arith.constant 0 : i32
    %sign3A_66 = arith.cmpi sgt, %add3A_46, %sign3A_65 : i32
    %sign3A_67 = arith.extui %sign3A_66 : i1 to i32
    %sign3A_68 = arith.constant 0 : i32
    %sign3A_69 = arith.cmpi slt, %add3A_46, %sign3A_68 : i32
    %sign3A_70 = arith.extui %sign3A_69 : i1 to i32
    %sign3A_71 = arith.subi %sign3A_67, %sign3A_70 : i32
    %sign3A_72 = arith.constant 0 : i32
    %sign3A_73 = arith.cmpi sgt, %jit3A_63, %sign3A_72 : i32
    %sign3A_74 = arith.extui %sign3A_73 : i1 to i32
    %sign3A_75 = arith.constant 0 : i32
    %sign3A_76 = arith.cmpi slt, %jit3A_63, %sign3A_75 : i32
    %sign3A_77 = arith.extui %sign3A_76 : i1 to i32
    %sign3A_78 = arith.subi %sign3A_74, %sign3A_77 : i32
    %ne3A_79 = arith.cmpi ne, %sign3A_71, %sign3A_78 : i32
    %rem3A_80 = arith.remsi %add3A_46, %jit3A_63 : i32
    %ne3A_81 = arith.constant 0 : i32
    %ne3A_82 = arith.cmpi ne, %rem3A_80, %ne3A_81 : i32
    %and3A_83 = arith.andi %ne3A_79, %ne3A_82 : i1
    %sub3A_84 = arith.constant 1 : i32
    %sub3A_85 = arith.subi %div3A_64, %sub3A_84 : i32
    %select_n3A_86 = arith.select %and3A_83, %sub3A_85, %div3A_64 : i32
    %jit3A_87 = arith.constant 8 : i32
    %eq3A = arith.constant 0 : i32
    %eq3A_88 = arith.cmpi eq, %jit3A_87, %eq3A : i32
    %jit3A_89 = arith.constant 1 : i32
    %select_n3A_90 = arith.select %eq3A_88, %jit3A_89, %jit3A_87 : i32
    %rem3A_91 = arith.remsi %select_n3A_86, %select_n3A_90 : i32
    %ne3A_92 = arith.constant 0 : i32
    %ne3A_93 = arith.cmpi ne, %rem3A_91, %ne3A_92 : i32
    %lt3A = arith.constant 0 : i32
    %lt3A_94 = arith.cmpi slt, %rem3A_91, %lt3A : i32
    %lt3A_95 = arith.constant 0 : i32
    %lt3A_96 = arith.cmpi slt, %select_n3A_90, %lt3A_95 : i32
    %ne3A_97 = arith.xori %lt3A_94, %lt3A_96 : i1
    %and3A_98 = arith.andi %ne3A_97, %ne3A_93 : i1
    %add3A_99 = arith.addi %rem3A_91, %select_n3A_90 : i32
    %select_n3A_100 = arith.select %and3A_98, %add3A_99, %rem3A_91 : i32
    %jit3A_101 = arith.constant 8 : i32
    %eq3A_102 = arith.constant 0 : i32
    %eq3A_103 = arith.cmpi eq, %jit3A_101, %eq3A_102 : i32
    %jit3A_104 = arith.constant 1 : i32
    %select_n3A_105 = arith.select %eq3A_103, %jit3A_104, %jit3A_101 : i32
    %rem3A_106 = arith.remsi %add3A_46, %select_n3A_105 : i32
    %ne3A_107 = arith.constant 0 : i32
    %ne3A_108 = arith.cmpi ne, %rem3A_106, %ne3A_107 : i32
    %lt3A_109 = arith.constant 0 : i32
    %lt3A_110 = arith.cmpi slt, %rem3A_106, %lt3A_109 : i32
    %lt3A_111 = arith.constant 0 : i32
    %lt3A_112 = arith.cmpi slt, %select_n3A_105, %lt3A_111 : i32
    %ne3A_113 = arith.xori %lt3A_110, %lt3A_112 : i1
    %and3A_114 = arith.andi %ne3A_113, %ne3A_108 : i1
    %add3A_115 = arith.addi %rem3A_106, %select_n3A_105 : i32
    %select_n3A_116 = arith.select %and3A_114, %add3A_115, %rem3A_106 : i32
    %lt3A_117 = arith.constant 7 : i32
    %lt3A_118 = arith.cmpi slt, %select_n3A_100, %lt3A_117 : i32
    %convert_element_type3A = arith.extui %lt3A_118 : i1 to i32
    %cond3A = arith.constant 0 : i32
    %cond3A_119 = arith.cmpi ne, %convert_element_type3A, %cond3A : i32
    scf.if %cond3A_119 {
      %dma_wait3A = arith.constant 0 : i32
      %dma_wait3A_217 = arith.constant 0 : i32
      %dma_wait3A_218 = arith.constant 0 : i32
      %dma_wait3A_219 = arith.constant 0 : i32
      %dma_wait3A_220 = arith.constant 0 : i32
      %dma_wait3A_221 = tpu.memref_slice %arg8[%dma_wait3A_218, %dma_wait3A_219, %dma_wait3A_220] : memref<16x8x128xf32, #tpu.memory_space<vmem>> -> memref<16x8x128xf32, #tpu.memory_space<vmem>>
      %dma_wait3A_222 = arith.constant 0 : i32
      %dma_wait3A_223 = arith.constant 0 : i32
      %dma_wait3A_224 = arith.constant 0 : i32
      %dma_wait3A_225 = tpu.memref_slice %arg4[%dma_wait3A, %dma_wait3A_222, %dma_wait3A_217, %dma_wait3A_223, %dma_wait3A_224] : memref<50x125x8x8x128xf32, #tpu.memory_space<hbm>> -> memref<1x16x1x8x128xf32, #tpu.memory_space<hbm>>
      %dma_wait3A_226 = tpu.memref_squeeze %dma_wait3A_225 : memref<1x16x1x8x128xf32, #tpu.memory_space<hbm>> -> memref<16x8x128xf32, #tpu.memory_space<hbm>>
      %dma_wait3A_227 = arith.constant 0 : i32
      %dma_wait3A_228 = arith.constant 0 : i32
      %dma_wait3A_229 = arith.constant 0 : i32
      %dma_wait3A_230 = tpu.memref_slice %arg4[%dma_wait3A, %dma_wait3A_227, %dma_wait3A_217, %dma_wait3A_228, %dma_wait3A_229] : memref<50x125x8x8x128xf32, #tpu.memory_space<hbm>> -> memref<1x16x1x8x128xf32, #tpu.memory_space<hbm>>
      %dma_wait3A_231 = tpu.memref_squeeze %dma_wait3A_230 : memref<1x16x1x8x128xf32, #tpu.memory_space<hbm>> -> memref<16x8x128xf32, #tpu.memory_space<hbm>>
      %dma_wait3A_232 = arith.constant 0 : i32
      %dma_wait3A_233 = arith.constant 0 : i32
      %dma_wait3A_234 = arith.constant 0 : i32
      %dma_wait3A_235 = tpu.memref_slice %arg8[%dma_wait3A_232, %dma_wait3A_233, %dma_wait3A_234] : memref<16x8x128xf32, #tpu.memory_space<vmem>> -> memref<16x8x128xf32, #tpu.memory_space<vmem>>
      tpu.wait_dma2 semaphore(%arg12 : memref<!tpu.dma_semaphore, #tpu.memory_space<semaphore_mem>>) src(%dma_wait3A_235 : memref<16x8x128xf32, #tpu.memory_space<vmem>>) dst(%dma_wait3A_231 : memref<16x8x128xf32, #tpu.memory_space<hbm>>)
    } else {
    }
    %eq3A_120 = arith.constant 7 : i32
    %eq3A_121 = arith.cmpi eq, %select_n3A_100, %eq3A_120 : i32
    %convert_element_type3A_122 = arith.extui %eq3A_121 : i1 to i32
    %cond3A_123 = arith.constant 0 : i32
    %cond3A_124 = arith.cmpi ne, %convert_element_type3A_122, %cond3A_123 : i32
    scf.if %cond3A_124 {
      %dma_wait3A = arith.constant 0 : i32
      %dma_wait3A_217 = arith.constant 0 : i32
      %dma_wait3A_218 = arith.constant 0 : i32
      %dma_wait3A_219 = arith.constant 0 : i32
      %dma_wait3A_220 = arith.constant 0 : i32
      %dma_wait3A_221 = tpu.memref_slice %arg8[%dma_wait3A_218, %dma_wait3A_219, %dma_wait3A_220] : memref<16x8x128xf32, #tpu.memory_space<vmem>> -> memref<13x8x128xf32, #tpu.memory_space<vmem>>
      %dma_wait3A_222 = arith.constant 0 : i32
      %dma_wait3A_223 = arith.constant 0 : i32
      %dma_wait3A_224 = arith.constant 0 : i32
      %dma_wait3A_225 = tpu.memref_slice %arg4[%dma_wait3A, %dma_wait3A_222, %dma_wait3A_217, %dma_wait3A_223, %dma_wait3A_224] : memref<50x125x8x8x128xf32, #tpu.memory_space<hbm>> -> memref<1x13x1x8x128xf32, #tpu.memory_space<hbm>>
      %dma_wait3A_226 = tpu.memref_squeeze %dma_wait3A_225 : memref<1x13x1x8x128xf32, #tpu.memory_space<hbm>> -> memref<13x8x128xf32, #tpu.memory_space<hbm>>
      %dma_wait3A_227 = arith.constant 0 : i32
      %dma_wait3A_228 = arith.constant 0 : i32
      %dma_wait3A_229 = arith.constant 0 : i32
      %dma_wait3A_230 = tpu.memref_slice %arg4[%dma_wait3A, %dma_wait3A_227, %dma_wait3A_217, %dma_wait3A_228, %dma_wait3A_229] : memref<50x125x8x8x128xf32, #tpu.memory_space<hbm>> -> memref<1x13x1x8x128xf32, #tpu.memory_space<hbm>>
      %dma_wait3A_231 = tpu.memref_squeeze %dma_wait3A_230 : memref<1x13x1x8x128xf32, #tpu.memory_space<hbm>> -> memref<13x8x128xf32, #tpu.memory_space<hbm>>
      %dma_wait3A_232 = arith.constant 0 : i32
      %dma_wait3A_233 = arith.constant 0 : i32
      %dma_wait3A_234 = arith.constant 0 : i32
      %dma_wait3A_235 = tpu.memref_slice %arg8[%dma_wait3A_232, %dma_wait3A_233, %dma_wait3A_234] : memref<16x8x128xf32, #tpu.memory_space<vmem>> -> memref<13x8x128xf32, #tpu.memory_space<vmem>>
      tpu.wait_dma2 semaphore(%arg13 : memref<!tpu.dma_semaphore, #tpu.memory_space<semaphore_mem>>) src(%dma_wait3A_235 : memref<13x8x128xf32, #tpu.memory_space<vmem>>) dst(%dma_wait3A_231 : memref<13x8x128xf32, #tpu.memory_space<hbm>>)
    } else {
    }
    %add3A_125 = arith.constant 99 : i32
    %add3A_126 = arith.addi %mul3A_2, %add3A_125 : i32
    %jit3A_127 = arith.constant 64 : i32
    %div3A_128 = arith.divsi %add3A_126, %jit3A_127 : i32
    %sign3A_129 = arith.constant 0 : i32
    %sign3A_130 = arith.cmpi sgt, %add3A_126, %sign3A_129 : i32
    %sign3A_131 = arith.extui %sign3A_130 : i1 to i32
    %sign3A_132 = arith.constant 0 : i32
    %sign3A_133 = arith.cmpi slt, %add3A_126, %sign3A_132 : i32
    %sign3A_134 = arith.extui %sign3A_133 : i1 to i32
    %sign3A_135 = arith.subi %sign3A_131, %sign3A_134 : i32
    %sign3A_136 = arith.constant 0 : i32
    %sign3A_137 = arith.cmpi sgt, %jit3A_127, %sign3A_136 : i32
    %sign3A_138 = arith.extui %sign3A_137 : i1 to i32
    %sign3A_139 = arith.constant 0 : i32
    %sign3A_140 = arith.cmpi slt, %jit3A_127, %sign3A_139 : i32
    %sign3A_141 = arith.extui %sign3A_140 : i1 to i32
    %sign3A_142 = arith.subi %sign3A_138, %sign3A_141 : i32
    %ne3A_143 = arith.cmpi ne, %sign3A_135, %sign3A_142 : i32
    %rem3A_144 = arith.remsi %add3A_126, %jit3A_127 : i32
    %ne3A_145 = arith.constant 0 : i32
    %ne3A_146 = arith.cmpi ne, %rem3A_144, %ne3A_145 : i32
    %and3A_147 = arith.andi %ne3A_143, %ne3A_146 : i1
    %sub3A_148 = arith.constant 1 : i32
    %sub3A_149 = arith.subi %div3A_128, %sub3A_148 : i32
    %select_n3A_150 = arith.select %and3A_147, %sub3A_149, %div3A_128 : i32
    %jit3A_151 = arith.constant 8 : i32
    %div3A_152 = arith.divsi %add3A_126, %jit3A_151 : i32
    %sign3A_153 = arith.constant 0 : i32
    %sign3A_154 = arith.cmpi sgt, %add3A_126, %sign3A_153 : i32
    %sign3A_155 = arith.extui %sign3A_154 : i1 to i32
    %sign3A_156 = arith.constant 0 : i32
    %sign3A_157 = arith.cmpi slt, %add3A_126, %sign3A_156 : i32
    %sign3A_158 = arith.extui %sign3A_157 : i1 to i32
    %sign3A_159 = arith.subi %sign3A_155, %sign3A_158 : i32
    %sign3A_160 = arith.constant 0 : i32
    %sign3A_161 = arith.cmpi sgt, %jit3A_151, %sign3A_160 : i32
    %sign3A_162 = arith.extui %sign3A_161 : i1 to i32
    %sign3A_163 = arith.constant 0 : i32
    %sign3A_164 = arith.cmpi slt, %jit3A_151, %sign3A_163 : i32
    %sign3A_165 = arith.extui %sign3A_164 : i1 to i32
    %sign3A_166 = arith.subi %sign3A_162, %sign3A_165 : i32
    %ne3A_167 = arith.cmpi ne, %sign3A_159, %sign3A_166 : i32
    %rem3A_168 = arith.remsi %add3A_126, %jit3A_151 : i32
    %ne3A_169 = arith.constant 0 : i32
    %ne3A_170 = arith.cmpi ne, %rem3A_168, %ne3A_169 : i32
    %and3A_171 = arith.andi %ne3A_167, %ne3A_170 : i1
    %sub3A_172 = arith.constant 1 : i32
    %sub3A_173 = arith.subi %div3A_152, %sub3A_172 : i32
    %select_n3A_174 = arith.select %and3A_171, %sub3A_173, %div3A_152 : i32
    %jit3A_175 = arith.constant 8 : i32
    %eq3A_176 = arith.constant 0 : i32
    %eq3A_177 = arith.cmpi eq, %jit3A_175, %eq3A_176 : i32
    %jit3A_178 = arith.constant 1 : i32
    %select_n3A_179 = arith.select %eq3A_177, %jit3A_178, %jit3A_175 : i32
    %rem3A_180 = arith.remsi %select_n3A_174, %select_n3A_179 : i32
    %ne3A_181 = arith.constant 0 : i32
    %ne3A_182 = arith.cmpi ne, %rem3A_180, %ne3A_181 : i32
    %lt3A_183 = arith.constant 0 : i32
    %lt3A_184 = arith.cmpi slt, %rem3A_180, %lt3A_183 : i32
    %lt3A_185 = arith.constant 0 : i32
    %lt3A_186 = arith.cmpi slt, %select_n3A_179, %lt3A_185 : i32
    %ne3A_187 = arith.xori %lt3A_184, %lt3A_186 : i1
    %and3A_188 = arith.andi %ne3A_187, %ne3A_182 : i1
    %add3A_189 = arith.addi %rem3A_180, %select_n3A_179 : i32
    %select_n3A_190 = arith.select %and3A_188, %add3A_189, %rem3A_180 : i32
    %jit3A_191 = arith.constant 8 : i32
    %eq3A_192 = arith.constant 0 : i32
    %eq3A_193 = arith.cmpi eq, %jit3A_191, %eq3A_192 : i32
    %jit3A_194 = arith.constant 1 : i32
    %select_n3A_195 = arith.select %eq3A_193, %jit3A_194, %jit3A_191 : i32
    %rem3A_196 = arith.remsi %add3A_126, %select_n3A_195 : i32
    %ne3A_197 = arith.constant 0 : i32
    %ne3A_198 = arith.cmpi ne, %rem3A_196, %ne3A_197 : i32
    %lt3A_199 = arith.constant 0 : i32
    %lt3A_200 = arith.cmpi slt, %rem3A_196, %lt3A_199 : i32
    %lt3A_201 = arith.constant 0 : i32
    %lt3A_202 = arith.cmpi slt, %select_n3A_195, %lt3A_201 : i32
    %ne3A_203 = arith.xori %lt3A_200, %lt3A_202 : i1
    %and3A_204 = arith.andi %ne3A_203, %ne3A_198 : i1
    %add3A_205 = arith.addi %rem3A_196, %select_n3A_195 : i32
    %select_n3A_206 = arith.select %and3A_204, %add3A_205, %rem3A_196 : i32
    %lt3A_207 = arith.constant 7 : i32
    %lt3A_208 = arith.cmpi slt, %select_n3A_190, %lt3A_207 : i32
    %convert_element_type3A_209 = arith.extui %lt3A_208 : i1 to i32
    %cond3A_210 = arith.constant 0 : i32
    %cond3A_211 = arith.cmpi ne, %convert_element_type3A_209, %cond3A_210 : i32
    scf.if %cond3A_211 {
      %dma_wait3A = arith.constant 0 : i32
      %dma_wait3A_217 = arith.constant 0 : i32
      %dma_wait3A_218 = arith.constant 0 : i32
      %dma_wait3A_219 = arith.constant 0 : i32
      %dma_wait3A_220 = arith.constant 0 : i32
      %dma_wait3A_221 = tpu.memref_slice %arg9[%dma_wait3A_218, %dma_wait3A_219, %dma_wait3A_220] : memref<16x8x128xf32, #tpu.memory_space<vmem>> -> memref<16x8x128xf32, #tpu.memory_space<vmem>>
      %dma_wait3A_222 = arith.constant 0 : i32
      %dma_wait3A_223 = arith.constant 0 : i32
      %dma_wait3A_224 = arith.constant 0 : i32
      %dma_wait3A_225 = tpu.memref_slice %arg4[%dma_wait3A, %dma_wait3A_222, %dma_wait3A_217, %dma_wait3A_223, %dma_wait3A_224] : memref<50x125x8x8x128xf32, #tpu.memory_space<hbm>> -> memref<1x16x1x8x128xf32, #tpu.memory_space<hbm>>
      %dma_wait3A_226 = tpu.memref_squeeze %dma_wait3A_225 : memref<1x16x1x8x128xf32, #tpu.memory_space<hbm>> -> memref<16x8x128xf32, #tpu.memory_space<hbm>>
      %dma_wait3A_227 = arith.constant 0 : i32
      %dma_wait3A_228 = arith.constant 0 : i32
      %dma_wait3A_229 = arith.constant 0 : i32
      %dma_wait3A_230 = tpu.memref_slice %arg4[%dma_wait3A, %dma_wait3A_227, %dma_wait3A_217, %dma_wait3A_228, %dma_wait3A_229] : memref<50x125x8x8x128xf32, #tpu.memory_space<hbm>> -> memref<1x16x1x8x128xf32, #tpu.memory_space<hbm>>
      %dma_wait3A_231 = tpu.memref_squeeze %dma_wait3A_230 : memref<1x16x1x8x128xf32, #tpu.memory_space<hbm>> -> memref<16x8x128xf32, #tpu.memory_space<hbm>>
      %dma_wait3A_232 = arith.constant 0 : i32
      %dma_wait3A_233 = arith.constant 0 : i32
      %dma_wait3A_234 = arith.constant 0 : i32
      %dma_wait3A_235 = tpu.memref_slice %arg9[%dma_wait3A_232, %dma_wait3A_233, %dma_wait3A_234] : memref<16x8x128xf32, #tpu.memory_space<vmem>> -> memref<16x8x128xf32, #tpu.memory_space<vmem>>
      tpu.wait_dma2 semaphore(%arg12 : memref<!tpu.dma_semaphore, #tpu.memory_space<semaphore_mem>>) src(%dma_wait3A_235 : memref<16x8x128xf32, #tpu.memory_space<vmem>>) dst(%dma_wait3A_231 : memref<16x8x128xf32, #tpu.memory_space<hbm>>)
    } else {
    }
    %eq3A_212 = arith.constant 7 : i32
    %eq3A_213 = arith.cmpi eq, %select_n3A_190, %eq3A_212 : i32
    %convert_element_type3A_214 = arith.extui %eq3A_213 : i1 to i32
    %cond3A_215 = arith.constant 0 : i32
    %cond3A_216 = arith.cmpi ne, %convert_element_type3A_214, %cond3A_215 : i32
    scf.if %cond3A_216 {
      %dma_wait3A = arith.constant 0 : i32
      %dma_wait3A_217 = arith.constant 0 : i32
      %dma_wait3A_218 = arith.constant 0 : i32
      %dma_wait3A_219 = arith.constant 0 : i32
      %dma_wait3A_220 = arith.constant 0 : i32
      %dma_wait3A_221 = tpu.memref_slice %arg9[%dma_wait3A_218, %dma_wait3A_219, %dma_wait3A_220] : memref<16x8x128xf32, #tpu.memory_space<vmem>> -> memref<13x8x128xf32, #tpu.memory_space<vmem>>
      %dma_wait3A_222 = arith.constant 0 : i32
      %dma_wait3A_223 = arith.constant 0 : i32
      %dma_wait3A_224 = arith.constant 0 : i32
      %dma_wait3A_225 = tpu.memref_slice %arg4[%dma_wait3A, %dma_wait3A_222, %dma_wait3A_217, %dma_wait3A_223, %dma_wait3A_224] : memref<50x125x8x8x128xf32, #tpu.memory_space<hbm>> -> memref<1x13x1x8x128xf32, #tpu.memory_space<hbm>>
      %dma_wait3A_226 = tpu.memref_squeeze %dma_wait3A_225 : memref<1x13x1x8x128xf32, #tpu.memory_space<hbm>> -> memref<13x8x128xf32, #tpu.memory_space<hbm>>
      %dma_wait3A_227 = arith.constant 0 : i32
      %dma_wait3A_228 = arith.constant 0 : i32
      %dma_wait3A_229 = arith.constant 0 : i32
      %dma_wait3A_230 = tpu.memref_slice %arg4[%dma_wait3A, %dma_wait3A_227, %dma_wait3A_217, %dma_wait3A_228, %dma_wait3A_229] : memref<50x125x8x8x128xf32, #tpu.memory_space<hbm>> -> memref<1x13x1x8x128xf32, #tpu.memory_space<hbm>>
      %dma_wait3A_231 = tpu.memref_squeeze %dma_wait3A_230 : memref<1x13x1x8x128xf32, #tpu.memory_space<hbm>> -> memref<13x8x128xf32, #tpu.memory_space<hbm>>
      %dma_wait3A_232 = arith.constant 0 : i32
      %dma_wait3A_233 = arith.constant 0 : i32
      %dma_wait3A_234 = arith.constant 0 : i32
      %dma_wait3A_235 = tpu.memref_slice %arg9[%dma_wait3A_232, %dma_wait3A_233, %dma_wait3A_234] : memref<16x8x128xf32, #tpu.memory_space<vmem>> -> memref<13x8x128xf32, #tpu.memory_space<vmem>>
      tpu.wait_dma2 semaphore(%arg13 : memref<!tpu.dma_semaphore, #tpu.memory_space<semaphore_mem>>) src(%dma_wait3A_235 : memref<13x8x128xf32, #tpu.memory_space<vmem>>) dst(%dma_wait3A_231 : memref<13x8x128xf32, #tpu.memory_space<hbm>>)
    } else {
    }
    return
  }
}

</mosaic_0001>

<sc_bundles>
// kernel: kernel.3.cloned.1.call-start
scs
__scs_entry_jumppad:
0x0: {  	(pc) =	sbr.rel $0x88, $3  }
0x1: {  	(tag) =	ssettag $0x0;
	lr =	simm.s32 $0x1  }
0x2: {  	[smem:$0x3F9F] =	sst lr;
	_ =	strace $0xD0000000  }
0x3: {  	_ = 	snop  }
0x4: {  	_ = 	snop  }
0x5: {  	_ = 	snop  }
0x6: {  	_ = 	snop  }
0x7: {  	_ = 	snop  }
__scs_overlays_trampoline_lowered:
0x8: {  	[smem:$0x3FAE] =	sst s0  }
0x9: {  	[smem:$0x3FAF] =	sst s1  }
0xa: {  	[smem:$0x3FB0] =	sst s2  }
0xb: {  	[smem:$0x3FB1] =	sst s3  }
0xc: {  	[smem:$0x3FB2] =	sst s4  }
0xd: {  	[smem:$0x3FB3] =	sst s5  }
0xe: {  	[smem:$0x3FB4] =	sst s6  }
0xf: {  	[smem:$0x3FB5] =	sst s7  }
0x10: {  	[smem:$0x3FB6] =	sst s8  }
0x11: {  	[smem:$0x3FB7] =	sst s9;
	s0 =	simm.s32 @!p0 $0x0  }
0x12: {  	s1 =	sld [smem:$0x3F9D];
	s0 =	simm.s32 @p0 $0x1  }
0x13: {  	[smem:$0x3FB8] =	sst s0;
	s0 =	simm.s32 @!p1 $0x0  }
0x14: {  	s2 =	sld [smem:$0x3F9C];
	s0 =	simm.s32 @p1 $0x1  }
0x15: {  	[smem:$0x3FB9] =	sst s0;
	s0 =	simm.s32 @!p2 $0x0  }
0x16: {  	s3 =	sld [smem:$0x3FDB];
	s0 =	simm.s32 @p2 $0x1  }
0x17: {  	s4 =	simm.s32 $0x1BF5;
	[smem:$0x3FBB] =	sst s0  }
0x18: {  	s0 =	sld [smem:$0x3F9E];
	_ =	swait.ge [sflag:s4], $0x0  }
0x19: {  	s7 =	sld [smem:$0x3F9F]  }
0x1a: {  	s8 =	sadd.s32 $0xFFFFE003, lr  }
0x1b: {  	s9 =	sadd.s32 $0xFFFFFEF7, lr;
	s5 =	simm.s32 $0xFFFFFFFF;
	p2 =	slt.u32 s8, $0xFFFFF086  }
0x1c: {  	p1 =	slt.u32 s9, $0xF7A;
	s5 =	simm.s32 @!p2 $0x0  }
0x1d: {  	s5 =	simm.s32 @p1 $0x1;
	p0 =	seq.s32 s7, s2  }
0x1e: {  	s7 =	smul.u32 @!p0 $0xF7A, s2;
	p2 =	seq.s32 @!p0 s5, $0x0  }
0x1f: {  	s9 =	smul.u32 $0xF7A, s1;
	s8 =	simm.s32 @!p0 $0x1BF5;
	p2 =	por !p2, p0  }
0x20: {  	[sflag:s8] =	ssyncset.s32 @!p0 $0xFFFFF086;
	s6 =	sadd.s32 @!p0 s3, s7;
	s7 =	simm.s32 @!p0 $0x108  }
0x21: {  	s3 =	sadd.s32 s3, s9;
	s6 =	sadd.s32 @!p0 $0x88, s6;
	s7 =	simm.s32 @p2 $0x1082  }
0x22: {  	[simem:s7], [sflag:s8] =	dma.local @!p0 [hbm:s6], $0xF7A  }
0x23: {  	s9 =	sor.u32 $0xD0000000, s2;
	s6 =	simm.s32 $0x108;
	_ =	swait.ge @!p0 [sflag:s8], $0x0  }
0x24: {  	s3 =	sadd.s32 $0x88, s3;
	s6 =	simm.s32 @!p1 $0x1082;
	[sflag:s4] =	ssyncset.s32 $0xFFFFF086  }
0x25: {  	[simem:s6], [sflag:s4] =	dma.local [hbm:s3], $0xF7A  }
0x26: {  	[smem:$0x3F9F] =	sst s1;
	(tag) =	ssettag s2;
	_ =	strace s9  }
0x27: {  	s1 =	sld [smem:$0x3FAF]  }
0x28: {  	s2 =	sld [smem:$0x3FB0]  }
0x29: {  	s4 =	sld [smem:$0x3FB2]  }
0x2a: {  	p0 =	seq.s32 s5, $0x0;
	s5 =	sld [smem:$0x3FB3]  }
0x2b: {  	s6 =	sld [smem:$0x3FB4]  }
0x2c: {  	s7 =	sld [smem:$0x3FB5]  }
0x2d: {  	s3 =	simm.s32 $0x108;
	s8 =	sld [smem:$0x3FB6]  }
0x2e: {  	s3 =	simm.s32 @!p0 $0x1082;
	s9 =	sld [smem:$0x3FB7]  }
0x2f: {  	lr =	sadd.s32 s0, s3;
	s0 =	sld [smem:$0x3FAE]  }
0x30: {  	s3 =	sld [smem:$0x3FB1]  }
0x31: {  	[smem:$0x3FBA] =	sst s10  }
0x32: {  	s10 =	sld [smem:$0x3FB8];
	_ =	sdelay $0x3  }
0x33: {  	p0 =	seq.s32 s10, $0x1;
	s10 =	sld [smem:$0x3FBA];
	_ =	sdelay $0x3  }
0x34: {  	[smem:$0x3FBA] =	sst s10  }
0x35: {  	s10 =	sld [smem:$0x3FB9];
	_ =	sdelay $0x3  }
0x36: {  	p1 =	seq.s32 s10, $0x1;
	s10 =	sld [smem:$0x3FBA];
	_ =	sdelay $0x3  }
0x37: {  	[smem:$0x3FBA] =	sst s10  }
0x38: {  	s10 =	sld [smem:$0x3FBB]  }
0x39: {  	_ = 	snop;
	(pc) =	sbr.ind lr, $3  }
0x3a: {  	_ = 	snop  }
0x3b: {  	_ = 	snop  }
0x3c: {  	p2 =	seq.s32 s10, $0x1;
	s10 =	sld [smem:$0x3FBA]  }
0x3d: {  	_ =	shalt  }
0x3e: {  	_ =	shalt  }
0x3f: {  	_ =	shalt  }
0x40: {  	_ =	shalt  }
0x41: {  	_ =	shalt  }
0x42: {  	_ =	shalt  }
0x43: {  	_ =	shalt  }
0x44: {  	_ =	shalt  }
0x45: {  	_ =	shalt  }
0x46: {  	_ =	shalt  }
0x47: {  	_ =	shalt  }
0x48: {  	_ =	shalt  }
0x49: {  	_ =	shalt  }
0x4a: {  	_ =	shalt  }
0x4b: {  	_ =	shalt  }
0x4c: {  	_ =	shalt  }
0x4d: {  	_ =	shalt  }
0x4e: {  	_ =	shalt  }
0x4f: {  	_ =	shalt  }
0x50: {  	_ =	shalt  }
0x51: {  	_ =	shalt  }
0x52: {  	_ =	shalt  }
0x53: {  	_ =	shalt  }
0x54: {  	_ =	shalt  }
0x55: {  	_ =	shalt  }
0x56: {  	_ =	shalt  }
0x57: {  	_ =	shalt  }
0x58: {  	_ =	shalt  }
0x59: {  	_ =	shalt  }
0x5a: {  	_ =	shalt  }
0x5b: {  	_ =	shalt  }
0x5c: {  	_ =	shalt  }
0x5d: {  	_ =	shalt  }
0x5e: {  	_ =	shalt  }
0x5f: {  	_ =	shalt  }
0x60: {  	_ =	shalt  }
0x61: {  	_ =	shalt  }
0x62: {  	_ =	shalt  }
0x63: {  	_ =	shalt  }
0x64: {  	_ =	shalt  }
0x65: {  	_ =	shalt  }
0x66: {  	_ =	shalt  }
0x67: {  	_ =	shalt  }
0x68: {  	_ =	shalt  }
0x69: {  	_ =	shalt  }
0x6a: {  	_ =	shalt  }
0x6b: {  	_ =	shalt  }
0x6c: {  	_ =	shalt  }
0x6d: {  	_ =	shalt  }
0x6e: {  	_ =	shalt  }
0x6f: {  	_ =	shalt  }
0x70: {  	_ =	shalt  }
0x71: {  	_ =	shalt  }
0x72: {  	_ =	shalt  }
0x73: {  	_ =	shalt  }
0x74: {  	_ =	shalt  }
0x75: {  	_ =	shalt  }
0x76: {  	_ =	shalt  }
0x77: {  	_ =	shalt  }
0x78: {  	_ =	shalt  }
0x79: {  	_ =	shalt  }
0x7a: {  	_ =	shalt  }
0x7b: {  	_ =	shalt  }
0x7c: {  	_ =	shalt  }
0x7d: {  	_ =	shalt  }
0x7e: {  	_ =	shalt  }
0x7f: {  	_ =	shalt  }
0x80: {  	_ =	shalt  }
0x81: {  	_ =	shalt  }
0x82: {  	_ =	shalt  }
0x83: {  	_ =	shalt  }
0x84: {  	_ =	shalt  }
0x85: {  	_ =	shalt  }
0x86: {  	_ =	shalt  }
0x87: {  	_ =	shalt  }
.Lfunc_end0:
.L_simem_size_0:
called_computation_lowered:
.L_overlay_start_0:
0x88: {  	s2 =	sld [smem:$0x3FD9]  }
0x89: {  	s3 =	sld [smem:$0x3FFE];
	_ =	sdelay $0x1  }
0x8a: {  	s1 =	srdreg.scid  }
0x8b: {  	s0 =	sand.u32 $0x1, s1  }
0x8c: {  	s17 =	sshll.u32 s0, $0xA;
	s2 =	sadd.s32 s3, s2  }
0x8d: {  	s2 =	sadd.s32 s2, s17  }
0x8e: {  	[smem:$0x3FC6] =	sst s2  }
0x8f: {  	_ = 	snop  }
0x90: {  	s2 =	sld [smem:$0x3FD0];
	(tm) =	ssettm $0x1  }
0x91: {  	s18 =	sld [smem:$0x3FFB];
	_ =	sdelay $0x3  }
0x92: {  	_ =	strace s18  }
0x93: {  	s3 =	sld [smem:$0x3FFC];
	_ =	sdelay $0x3  }
0x94: {  	_ =	strace s3  }
0x95: {  	s3 =	sld [smem:$0x3FFD];
	_ =	sdelay $0x3  }
0x96: {  	_ =	strace s3  }
0x97: {  	_ =	strace $0x8FFFFFFF  }
0x98: {  	s19 =	sld [smem:$0x3FDB];
	_ =	sdelay $0x1  }
0x99: {  	s4 =	simm.s32 $_scs_section_size  }
0x9a: {  	s5 =	simm.s32 $_size__tile_overlayer_lowered;
	s6 =	simm.s32 $_tile_overlayer_lowered  }
0x9b: {  	s22 =	simm.s32 $0x1BFF;
	s21 =	sshll.u32 s6, $0x1;
	s3 =	sadd.s32 s4, s19  }
0x9c: {  	s7 =	simm.s32 $0x0;
	s20 =	sshll.u32 s5, $0x1;
	s5 =	sadd.s32 s21, s3  }
0x9d: {  	[timem:s7], [sflag:s22] =	dma.local [hbm:s5], s20  }
0x9e: {  	_ =	swait.ge [sflag:s22], s20  }
0x9f: {  	s4 =	ssub.s32 $0x0, s20;
	[sflag:s22] =	ssyncset.done $0x0  }
0xa0: {  	[sflag:s22] =	ssyncadd.s32 s4;
	_ =	sdelay $0x1  }
0xa1: {  	s23 =	simm.s32 $0x1B8B  }
0xa2: {  	_ =	swait.ge [sflag:s23], $0x1  }
0xa3: {  	[sflag:s23] =	ssyncset.done $0x0  }
0xa4: {  	s25 =	simm.s32 $0x1B8E;
	s24 =	sld [smem:$0x3FFE];
	[sflag:s23] =	ssyncadd.s32 $0xFFFFFFFF  }
0xa5: {  	s26 =	simm.s32 $execute0_lowered;
	[smem:$0x3FD2] =	sst s25  }
0xa6: {  	s5 =	sshll.u32 s26, $0x1;
	_ =	strace $0x80000046;
	[dreg:$0x1] =	wrdreg $0xFFFFFFFF  }
0xa7: {  	s28 =	simm.s32 $_size_execute0_lowered;
	s3 =	sadd.s32 s3, s5;
	[dreg:$0x0] =	wrdreg $0x0  }
0xa8: {  	s5 =	sshll.u32 s28, $0x1;
	[dreg:$0x2] =	wrdreg s3  }
0xa9: {  	[dreg:$0x3] =	wrdreg s5  }
0xaa: {  	[dreg:$0x4] =	wrdreg $0xC0  }
0xab: {  	_ =	task [dreg:s7], $0x5FFFF  }
0xac: {  	[dreg:$0x1] =	wrdreg $0xFFFFFFFF  }
0xad: {  	[dreg:$0x0] =	wrdreg $0x60  }
0xae: {  	[dreg:$0x2] =	wrdreg s24  }
0xaf: {  	[dreg:$0x3] =	wrdreg s2  }
0xb0: {  	[dreg:$0x4] =	wrdreg $0x9  }
0xb1: {  	_ =	task.clear_ibuf [dreg:s7], $0x5FFFF;
	_ =	strace $0x90000046  }
0xb2: {  	s29 =	simm.s32 $0x9;
	_ =	strace $0x80000048  }
0xb3: {  	_ =	swait.ge [sflag:s29], $0x1  }
0xb4: {  	[sflag:s29] =	ssyncadd.s32 $0xFFFFFFFF  }
0xb5: {  	_ =	strace $0x90000048  }
0xb6: {  	_ =	sfence  }
0xb7: {  	s30 =	sld [smem:$0x0];
	_ =	sdelay $0x2  }
0xb8: {  	s31 =	sshll.u32 s1, $0xD;
	s1 =	sshrl.u32 s1, $0x2  }
0xb9: {  	s3 =	sand.u32 $0x4000, s31;
	s1 =	sadd.s32 s1, s30  }
0xba: {  	s0 =	sor.u32 s3, s0;
	s1 =	sshll.u32 s1, $0x11  }
0xbb: {  	s0 =	sor.u32 s1, s0  }
0xbc: {  	s0 =	sadd.s32 $0x8F2B, s0  }
0xbd: {  	[sflag:s0] =	ssyncadd.remote.s32 $0x1  }
0xbe: {  	_ =	sfence.sel $0xFFFF  }
0xbf: {  	[dreg:$0x0] =	wrdreg $0xFFFFFFFF;
	(pc) =	sbr.abs _section_cstart, $3  }
0xc0: {  	[dreg:$0x1] =	wrdreg $0xFFFFFFFF  }
0xc1: {  	_ =	task.clear_ibuf [dreg:s7], $0x2FFFF;
	_ =	strace $0x9FFFFFFF  }
0xc2: {  	(tm) =	ssettm $0x7FFFFFFF  }
0xc3: {  	_ =	shalt  }
tec
execute0_lowered:
.L_overlay_start_1:
0x0: {  	(tag) =	ssettag $0x1  }
0x1: {  	s6 =	rddreg [dreg:$0x0]  }
0x2: {  	s1 =	srdreg.scid;
	s0 =	stileid.u32  }
0x3: {  	s2 =	rddreg [dreg:$0x1];
	s3 =	simm.s32 $0x0;
	s10 =	simm.s32 $0x5  }
0x4: {  	s11 =	simm.s32 $0x80;
	s12 =	simm.s32 $0x3200;
	s13 =	simm.s32 $0x7200  }
0x5: {  	s14 =	simm.s32 $0x1;
	s4 =	sand.u32 $0x1, s1;
	s5 =	sshll.u32 s0, $0x1  }
0x6: {  	s15 =	simm.s32 $0x400;
	s16 =	simm.s32 $0x2000;
	s5 =	sor.u32 s4, s5  }
0x7: {  	s17 =	simm.s32 $0xB200;
	s18 =	simm.s32 $0x2;
	s7 =	smul.u32 $0x640, s5  }
0x8: {  	v0 =	vlaneseq.u32;
	s1 =	rddreg [dreg:$0x2];
	s8 =	ssub.s32 $0x2, s4;
	s4 =	smul.u32 $0x64, s5  }
.Ltmp0:
0x9: {  	s19 =	simm.s32 $0xF200;
	[smem:$0x7FF] =	sst s3;
	v0 =	vmul.u32 $0x80, v0;
	(pc) =	sbr.rel .LBB2_1-.Ltmp0, $4  }
0xa: {  	_ =	strace $0x80000047;
	s5 =	sadd.s32 $0xCE00, s6;
	s31 =	sshrl.u32 s8, $0x1  }
0xb: {  	v1 =	vor.u32 $0x800, v0;
	s9 =	ssub.s32 s8, s31;
	s6 =	sadd.s32 s7, s6;
	s7 =	sadd.s32 $0xFFFFFFFE, s4  }
0xc: {  	v2 =	vor.u32 $0x1000, v0;
	v3 =	vor.u32 $0x1800, v0;
	v4 =	vor.u32 $0x2000, v0;
	s8 =	sadd.s32 $0xFFFFFFFF, s4;
	s20 =	sand.u32 $0x38, s4;
	s9 =	smax.u32 s9, $0x1  }
0xd: {  	v5 =	vor.u32 $0x2800, v0;
	v6 =	vor.u32 $0x3000, v0;
	v7 =	vor.u32 $0x3800, v0;
	s6 =	sadd.s32 $0x600, s6;
	p0 =	seq.s32 s20, $0x18;
	s20 =	simm.s32 $0x0  }
.LBB2_21:
0xe: {  	s21 =	simm.s32 @p0 $0x4  }
0xf: {  	_ =	swait.ge @p0 [sflag:s21], $0x3400  }
0x10: {  	[sflag:s21] =	ssyncset.done @p0 $0x0  }
0x11: {  	[sflag:s21] =	ssyncadd.s32 @p0 $0xFFFFCC00  }
0x12: {  	_ =	swait.ge @p0 [sflag:s21], $0x3400  }
0x13: {  	[sflag:s21] =	ssyncset.done @p0 $0x0  }
0x14: {  	s20 =	sadd.s32 $0x1, s20;
	[sflag:s21] =	ssyncadd.s32 @p0 $0xFFFFCC00;
	s21 =	simm.s32 @!p0 $0x3  }
0x15: {  	p1 =	sne.s32 s20, s9;
	_ =	swait.ge @!p0 [sflag:s21], $0x4000  }
.Ltmp1:
0x16: {  	[sflag:s21] =	ssyncset.done @!p0 $0x0;
	(pc) =	sbr.rel @!p1 .LBB2_22-.Ltmp1, $4  }
0x17: {  	[sflag:s21] =	ssyncadd.s32 @!p0 $0xFFFFC000  }
0x18: {  	_ =	swait.ge @!p0 [sflag:s21], $0x4000  }
0x19: {  	[sflag:s21] =	ssyncset.done @!p0 $0x0  }
0x1a: {  	[sflag:s21] =	ssyncadd.s32 @!p0 $0xFFFFC000  }
.LBB2_1:
0x1b: {  	[tilespmem:s3], [sflag:$0x5] =	stream.linear.gather [hbm4b:s6+s3], $0x3200, $0x38;
	[tilespmem:$0x13200] =	vst v63  }
.Ltmp2:
0x1c: {  	_ = 	snop;
	(pc) =	sbr.rel .LBB2_2-.Ltmp2, $4  }
0x1d: {  	_ =	swait.ge [sflag:s10], $0x3200  }
0x1e: {  	[sflag:s10] =	ssyncset.done $0x0  }
0x1f: {  	s21 =	simm.s32 $0x0;
	[sflag:s10] =	ssyncadd.s32 $0xFFFFCE00  }
0x20: {  	[tilespmem:s12], [sflag:$0x1] =	stream.indirect.gather [hbm4b:s5+s11], $0x80, s3, s11, $0xb8;
	[tilespmem:$0x13200] =	vst v63  }
.LBB2_16:
0x21: {  	_ =	sdelay $0x1  }
0x22: {  	v10 =	vand.u32 $0x7F, v10  }
0x23: {  	[tilespmem:s23+$0x20] =	vst v9;
	v57 =	vbroadcast v10, $0x0  }
0x24: {  	v8 =	vld.idx.msk [tilespmem:v8+s13+$0x0], $0xffff  }
0x25: {  	v10 =	vor.u32 v0, v57;
	_ =	sdelay $0x3  }
0x26: {  	[tilespmem:s23+$0x30] =	vst v8  }
0x27: {  	v8 =	vld.idx.msk [tilespmem:v10+s13+$0x0], $0xffff  }
0x28: {  	v58 =	vor.u32 v1, v57;
	_ =	sdelay $0x2  }
0x29: {  	s30 =	sadd.s32 $0x80, s23  }
0x2a: {  	[tilespmem:s30+$0xFFFFFFC0] =	vst v8  }
0x2b: {  	v8 =	vld.idx.msk [tilespmem:v58+s13+$0x0], $0xffff  }
0x2c: {  	v59 =	vor.u32 v2, v57;
	_ =	sdelay $0x3  }
0x2d: {  	[tilespmem:s30+$0xFFFFFFD0] =	vst v8  }
0x2e: {  	v8 =	vld.idx.msk [tilespmem:v59+s13+$0x0], $0xffff  }
0x2f: {  	v60 =	vor.u32 v3, v57;
	_ =	sdelay $0x3  }
0x30: {  	[tilespmem:s30+$0xFFFFFFE0] =	vst v8  }
0x31: {  	v8 =	vld.idx.msk [tilespmem:v60+s13+$0x0], $0xffff  }
0x32: {  	v61 =	vor.u32 v4, v57;
	_ =	sdelay $0x3  }
0x33: {  	[tilespmem:s30+$0xFFFFFFF0] =	vst v8  }
0x34: {  	v8 =	vld.idx.msk [tilespmem:v61+s13+$0x0], $0xffff  }
0x35: {  	v62 =	vor.u32 v5, v57;
	_ =	sdelay $0x3  }
0x36: {  	[tilespmem:s30+$0x0] =	vst v8  }
0x37: {  	v8 =	vld.idx.msk [tilespmem:v62+s13+$0x0], $0xffff  }
0x38: {  	v63 =	vor.u32 v6, v57;
	_ =	sdelay $0x3  }
0x39: {  	[tilespmem:s30+$0x10] =	vst v8  }
0x3a: {  	v8 =	vld.idx.msk [tilespmem:v63+s13+$0x0], $0xffff  }
0x3b: {  	v9 =	vor.u32 v7, v57;
	_ =	sdelay $0x3  }
0x3c: {  	s25 =	sshrl.u32 s22, $0x6;
	[tilespmem:s30+$0x20] =	vst v8  }
0x3d: {  	s25 =	smul.u32 $0xFA000, s25;
	v8 =	vld.idx.msk [tilespmem:v9+s13+$0x0], $0xffff  }
0x3e: {  	s24 =	sshll.u32 s24, $0x11;
	s31 =	sshll.u32 s22, $0xA  }
0x3f: {  	s22 =	sand.u32 $0x1C00, s31;
	s24 =	sadd.s32 s24, s25  }
0x40: {  	s22 =	sor.u32 s22, s24  }
0x41: {  	s22 =	sshrl.u32 s22, $0x3  }
0x42: {  	s22 =	sadd.s32 s2, s22;
	[tilespmem:s30+$0x30] =	vst v8  }
0x43: {  	[hbm4b:s22+s15] =	stream.strided.scatter [tilespmem:s19], [sflag:$0x3], $0x4000, s16, s15, $0x38;
	[tilespmem:$0x13200] =	vst v63  }
.LBB2_20:
0x44: {  	s21 =	sadd.s32 $0x1, s21  }
0x45: {  	p1 =	sne.s32 s21, $0x32  }
.Ltmp3:
0x46: {  	_ = 	snop;
	(pc) =	sbr.rel @!p1 .LBB2_21-.Ltmp3, $1  }
0x47: {  	_ =	sdelay $0x3  }
.LBB2_2:
0x48: {  	s22 =	sshllo.u32 s21, $0x1  }
0x49: {  	s23 =	sshll.u32 s22, $0x7  }
0x4a: {  	s23 =	sand.u32 $0x3FFFFF80, s23  }
0x4b: {  	[tilespmem:s13], [sflag:$0x2] =	stream.indirect.gather [hbm4b:s5+s11], $0x80, s23, s11, $0xb8;
	[tilespmem:$0x13200] =	vst v63  }
0x4c: {  	p1 =	seq.s32 s21, $0x0;
	s23 =	sshll.u32 s21, $0x1  }
0x4d: {  	s24 =	sadd.s32 @!p1 s23, s7  }
0x4e: {  	s25 =	sand.u32 @!p1 $0x6, s24  }
0x4f: {  	s26 =	sshra.s32 @!p1 s24, $0x1F;
	p2 =	sgt.s32 @!p1 s24, $0x0;
	p3 =	seq.s32 @!p1 s25, $0x0  }
0x50: {  	s25 =	sshrl.u32 @!p1 s26, $0x1D;
	p2 =	por @!p1 p2, p3  }
0x51: {  	s24 =	sadd.s32 @!p1 s25, s24;
	s25 =	simm.s32 @!p1 $0x1;
	p2 =	por !p2, p1  }
0x52: {  	s24 =	sshrl.u32 @!p1 s24, $0x3;
	s25 =	simm.s32 @p2 $0x0  }
0x53: {  	s24 =	sadd.s32 @!p1 s25, s24  }
0x54: {  	s24 =	ssub.s32 @!p1 $0x0, s24  }
0x55: {  	s24 =	sand.u32 @!p1 $0x7, s24  }
0x56: {  	_ =	swait.ge [sflag:s14], $0x4000;
	p2 =	seq.s32 @!p1 s24, $0x0  }
0x57: {  	[sflag:s14] =	ssyncset.done $0x0;
	p3 =	por !p2, p1  }
0x58: {  	[sflag:s14] =	ssyncadd.s32 $0xFFFFC000;
	s24 =	simm.s32 @!p3 $0x4  }
0x59: {  	_ =	swait.ge @!p3 [sflag:s24], $0x3400  }
0x5a: {  	p2 =	por p2, p1;
	[sflag:s24] =	ssyncset.done @!p3 $0x0  }
0x5b: {  	s25 =	sadd.s32 s4, s23;
	[sflag:s24] =	ssyncadd.s32 @!p3 $0xFFFFCC00;
	s24 =	simm.s32 @!p2 $0x3  }
0x5c: {  	s31 =	sshrl.u32 s25, $0x3;
	_ =	swait.ge @!p2 [sflag:s24], $0x4000  }
0x5d: {  	s28 =	sand.u32 $0x7, s31;
	[sflag:s24] =	ssyncset.done @!p2 $0x0  }
0x5e: {  	s29 =	simm.s32 $0x0;
	[sflag:s24] =	ssyncadd.s32 @!p2 $0xFFFFC000;
	p2 =	seq.s32 s28, $0x7  }
.Ltmp4:
0x5f: {  	v8 =	vmov s29;
	(pc) =	sbr.rel @!p2 .LBB2_3-.Ltmp4, $3  }
0x60: {  	v8 =	vand.u32 $0x7F, v8  }
0x61: {  	v8 =	vbroadcast v8, $0x0;
	_ =	sdelay $0x1  }
0x62: {  	v9 =	vor.u32 v0, v8;
	s26 =	simm.s32 $0xB240;
	s24 =	sand.u32 $0x6, s25  }
0x63: {  	_ =	sdelay $0x3  }
0x64: {  	v9 =	vld.idx.msk [tilespmem:v9+s12+$0x0], $0xffff  }
0x65: {  	v10 =	vor.u32 v1, v8;
	_ =	sdelay $0x3  }
0x66: {  	[tilespmem:s26+$0xFFFFFFC0] =	vst v9  }
0x67: {  	v9 =	vld.idx.msk [tilespmem:v10+s12+$0x0], $0xffff  }
0x68: {  	v10 =	vor.u32 v2, v8;
	_ =	sdelay $0x3  }
0x69: {  	[tilespmem:s26+$0xFFFFFFD0] =	vst v9  }
0x6a: {  	v9 =	vld.idx.msk [tilespmem:v10+s12+$0x0], $0xffff  }
0x6b: {  	v10 =	vor.u32 v3, v8;
	_ =	sdelay $0x3  }
0x6c: {  	[tilespmem:s26+$0xFFFFFFE0] =	vst v9  }
0x6d: {  	v9 =	vld.idx.msk [tilespmem:v10+s12+$0x0], $0xffff  }
0x6e: {  	v10 =	vor.u32 v4, v8;
	_ =	sdelay $0x3  }
0x6f: {  	[tilespmem:s26+$0xFFFFFFF0] =	vst v9  }
0x70: {  	v9 =	vld.idx.msk [tilespmem:v10+s12+$0x0], $0xffff  }
0x71: {  	v10 =	vor.u32 v5, v8;
	_ =	sdelay $0x3  }
0x72: {  	[tilespmem:s26+$0x0] =	vst v9  }
0x73: {  	v9 =	vld.idx.msk [tilespmem:v10+s12+$0x0], $0xffff  }
0x74: {  	v10 =	vor.u32 v6, v8;
	_ =	sdelay $0x3  }
0x75: {  	[tilespmem:s26+$0x10] =	vst v9  }
0x76: {  	v9 =	vld.idx.msk [tilespmem:v10+s12+$0x0], $0xffff  }
0x77: {  	v8 =	vor.u32 v7, v8;
	_ =	sdelay $0x1  }
0x78: {  	s28 =	sadd.s32 $0x1, s29  }
0x79: {  	v10 =	vmov s28;
	s28 =	sadd.s32 $0x1, s28  }
.LBB2_7:
0x7a: {  	p2 =	sne.s32 s28, $0x67;
	v10 =	vand.u32 $0x7F, v10;
	[tilespmem:s26+$0x20] =	vst v9  }
0x7b: {  	v10 =	vbroadcast v10, $0x0;
	v8 =	vld.idx.msk [tilespmem:v8+s12+$0x0], $0xffff;
	_ =	sdelay $0x1  }
0x7c: {  	v9 =	vor.u32 v0, v10;
	_ =	sdelay $0x3  }
0x7d: {  	[tilespmem:s26+$0x30] =	vst v8  }
0x7e: {  	v8 =	vld.idx.msk [tilespmem:v9+s12+$0x0], $0xffff;
	_ =	sdelay $0x1  }
0x7f: {  	v9 =	vor.u32 v1, v10;
	_ =	sdelay $0x2  }
0x80: {  	s26 =	sadd.s32 $0x80, s26  }
0x81: {  	[tilespmem:s26+$0xFFFFFFC0] =	vst v8  }
0x82: {  	v8 =	vld.idx.msk [tilespmem:v9+s12+$0x0], $0xffff;
	_ =	sdelay $0x1  }
0x83: {  	v9 =	vor.u32 v2, v10;
	_ =	sdelay $0x3  }
0x84: {  	[tilespmem:s26+$0xFFFFFFD0] =	vst v8  }
0x85: {  	v8 =	vld.idx.msk [tilespmem:v9+s12+$0x0], $0xffff;
	_ =	sdelay $0x1  }
0x86: {  	v9 =	vor.u32 v3, v10;
	_ =	sdelay $0x3  }
0x87: {  	[tilespmem:s26+$0xFFFFFFE0] =	vst v8  }
0x88: {  	v8 =	vld.idx.msk [tilespmem:v9+s12+$0x0], $0xffff;
	_ =	sdelay $0x1  }
0x89: {  	v9 =	vor.u32 v4, v10;
	_ =	sdelay $0x3  }
0x8a: {  	[tilespmem:s26+$0xFFFFFFF0] =	vst v8  }
0x8b: {  	v8 =	vld.idx.msk [tilespmem:v9+s12+$0x0], $0xffff;
	_ =	sdelay $0x1  }
0x8c: {  	v9 =	vor.u32 v5, v10;
	_ =	sdelay $0x3  }
0x8d: {  	[tilespmem:s26+$0x0] =	vst v8  }
0x8e: {  	v8 =	vld.idx.msk [tilespmem:v9+s12+$0x0], $0xffff;
	_ =	sdelay $0x1  }
0x8f: {  	v9 =	vor.u32 v6, v10;
	_ =	sdelay $0x3  }
0x90: {  	[tilespmem:s26+$0x10] =	vst v8  }
0x91: {  	v9 =	vld.idx.msk [tilespmem:v9+s12+$0x0], $0xffff  }
.Ltmp5:
0x92: {  	(pc) =	sbr.rel @p2 .LBB2_7-.Ltmp5, $2  }
0x93: {  	v8 =	vor.u32 v7, v10;
	_ =	sdelay $0x2  }
0x94: {  	v10 =	vmov s28;
	s28 =	sadd.s32 $0x1, s28  }
0x95: {  	_ =	sdelay $0x1  }
0x96: {  	v10 =	vand.u32 $0x7F, v10  }
0x97: {  	[tilespmem:s26+$0x20] =	vst v9;
	v57 =	vbroadcast v10, $0x0  }
0x98: {  	v8 =	vld.idx.msk [tilespmem:v8+s12+$0x0], $0xffff  }
0x99: {  	v10 =	vor.u32 v0, v57;
	_ =	sdelay $0x3  }
0x9a: {  	[tilespmem:s26+$0x30] =	vst v8  }
0x9b: {  	v8 =	vld.idx.msk [tilespmem:v10+s12+$0x0], $0xffff  }
0x9c: {  	v58 =	vor.u32 v1, v57;
	_ =	sdelay $0x2  }
0x9d: {  	s31 =	sadd.s32 $0x80, s26  }
0x9e: {  	[tilespmem:s31+$0xFFFFFFC0] =	vst v8  }
0x9f: {  	v8 =	vld.idx.msk [tilespmem:v58+s12+$0x0], $0xffff  }
0xa0: {  	v59 =	vor.u32 v2, v57;
	_ =	sdelay $0x3  }
0xa1: {  	[tilespmem:s31+$0xFFFFFFD0] =	vst v8  }
0xa2: {  	v8 =	vld.idx.msk [tilespmem:v59+s12+$0x0], $0xffff  }
0xa3: {  	v60 =	vor.u32 v3, v57;
	_ =	sdelay $0x3  }
0xa4: {  	[tilespmem:s31+$0xFFFFFFE0] =	vst v8  }
0xa5: {  	v8 =	vld.idx.msk [tilespmem:v60+s12+$0x0], $0xffff  }
0xa6: {  	v61 =	vor.u32 v4, v57;
	_ =	sdelay $0x3  }
0xa7: {  	[tilespmem:s31+$0xFFFFFFF0] =	vst v8  }
0xa8: {  	v8 =	vld.idx.msk [tilespmem:v61+s12+$0x0], $0xffff  }
0xa9: {  	v62 =	vor.u32 v5, v57;
	_ =	sdelay $0x3  }
0xaa: {  	[tilespmem:s31+$0x0] =	vst v8  }
0xab: {  	v8 =	vld.idx.msk [tilespmem:v62+s12+$0x0], $0xffff  }
0xac: {  	v63 =	vor.u32 v6, v57;
	_ =	sdelay $0x3  }
0xad: {  	[tilespmem:s31+$0x10] =	vst v8  }
0xae: {  	v8 =	vld.idx.msk [tilespmem:v63+s12+$0x0], $0xffff  }
0xaf: {  	v9 =	vor.u32 v7, v57;
	_ =	sdelay $0x3  }
0xb0: {  	s25 =	sshrl.u32 s25, $0x6;
	[tilespmem:s31+$0x20] =	vst v8  }
0xb1: {  	s25 =	smul.u32 $0xFA000, s25;
	v8 =	vld.idx.msk [tilespmem:v9+s12+$0x0], $0xffff  }
0xb2: {  	s24 =	sshll.u32 s24, $0xA  }
.Ltmp6:
0xb3: {  	s24 =	sor.u32 s24, s25;
	(pc) =	sbr.rel .LBB2_9-.Ltmp6, $4  }
0xb4: {  	s24 =	sadd.s32 $0xE0000, s24  }
0xb5: {  	s24 =	sshrl.u32 s24, $0x3  }
0xb6: {  	s24 =	sadd.s32 s2, s24;
	[tilespmem:s31+$0x30] =	vst v8  }
0xb7: {  	[hbm4b:s24+s15] =	stream.strided.scatter [tilespmem:s17], [sflag:$0x4], $0x3400, s16, s15, $0x38;
	[tilespmem:$0x13200] =	vst v63  }
.LBB2_3:
0xb8: {  	_ =	sdelay $0x3  }
0xb9: {  	v9 =	vld.idx.msk [tilespmem:v9+s12+$0x0], $0xffff  }
0xba: {  	v10 =	vor.u32 v1, v8;
	_ =	sdelay $0x3  }
0xbb: {  	[tilespmem:s26+$0xFFFFFFC0] =	vst v9  }
0xbc: {  	v9 =	vld.idx.msk [tilespmem:v10+s12+$0x0], $0xffff  }
0xbd: {  	v10 =	vor.u32 v2, v8;
	_ =	sdelay $0x3  }
0xbe: {  	[tilespmem:s26+$0xFFFFFFD0] =	vst v9  }
0xbf: {  	v9 =	vld.idx.msk [tilespmem:v10+s12+$0x0], $0xffff  }
0xc0: {  	v10 =	vor.u32 v3, v8;
	_ =	sdelay $0x3  }
0xc1: {  	[tilespmem:s26+$0xFFFFFFE0] =	vst v9  }
0xc2: {  	v9 =	vld.idx.msk [tilespmem:v10+s12+$0x0], $0xffff  }
0xc3: {  	v10 =	vor.u32 v4, v8;
	_ =	sdelay $0x3  }
0xc4: {  	[tilespmem:s26+$0xFFFFFFF0] =	vst v9  }
0xc5: {  	v9 =	vld.idx.msk [tilespmem:v10+s12+$0x0], $0xffff  }
0xc6: {  	v10 =	vor.u32 v5, v8;
	_ =	sdelay $0x3  }
0xc7: {  	[tilespmem:s26+$0x0] =	vst v9  }
0xc8: {  	v9 =	vld.idx.msk [tilespmem:v10+s12+$0x0], $0xffff  }
0xc9: {  	v10 =	vor.u32 v6, v8;
	_ =	sdelay $0x3  }
0xca: {  	[tilespmem:s26+$0x10] =	vst v9  }
0xcb: {  	v9 =	vld.idx.msk [tilespmem:v10+s12+$0x0], $0xffff  }
0xcc: {  	v8 =	vor.u32 v7, v8;
	_ =	sdelay $0x1  }
0xcd: {  	s29 =	sadd.s32 $0x1, s29  }
0xce: {  	v10 =	vmov s29;
	s29 =	sadd.s32 $0x1, s29  }
.LBB2_4:
0xcf: {  	p2 =	sne.s32 s29, $0x7F;
	v10 =	vand.u32 $0x7F, v10;
	[tilespmem:s26+$0x20] =	vst v9  }
0xd0: {  	v10 =	vbroadcast v10, $0x0;
	v8 =	vld.idx.msk [tilespmem:v8+s12+$0x0], $0xffff;
	_ =	sdelay $0x1  }
0xd1: {  	v9 =	vor.u32 v0, v10;
	_ =	sdelay $0x3  }
0xd2: {  	[tilespmem:s26+$0x30] =	vst v8  }
0xd3: {  	v8 =	vld.idx.msk [tilespmem:v9+s12+$0x0], $0xffff;
	_ =	sdelay $0x1  }
0xd4: {  	v9 =	vor.u32 v1, v10;
	_ =	sdelay $0x2  }
0xd5: {  	s26 =	sadd.s32 $0x80, s26  }
0xd6: {  	[tilespmem:s26+$0xFFFFFFC0] =	vst v8  }
0xd7: {  	v8 =	vld.idx.msk [tilespmem:v9+s12+$0x0], $0xffff;
	_ =	sdelay $0x1  }
0xd8: {  	v9 =	vor.u32 v2, v10;
	_ =	sdelay $0x3  }
0xd9: {  	[tilespmem:s26+$0xFFFFFFD0] =	vst v8  }
0xda: {  	v8 =	vld.idx.msk [tilespmem:v9+s12+$0x0], $0xffff;
	_ =	sdelay $0x1  }
0xdb: {  	v9 =	vor.u32 v3, v10;
	_ =	sdelay $0x3  }
0xdc: {  	[tilespmem:s26+$0xFFFFFFE0] =	vst v8  }
0xdd: {  	v8 =	vld.idx.msk [tilespmem:v9+s12+$0x0], $0xffff;
	_ =	sdelay $0x1  }
0xde: {  	v9 =	vor.u32 v4, v10;
	_ =	sdelay $0x3  }
0xdf: {  	[tilespmem:s26+$0xFFFFFFF0] =	vst v8  }
0xe0: {  	v8 =	vld.idx.msk [tilespmem:v9+s12+$0x0], $0xffff;
	_ =	sdelay $0x1  }
0xe1: {  	v9 =	vor.u32 v5, v10;
	_ =	sdelay $0x3  }
0xe2: {  	[tilespmem:s26+$0x0] =	vst v8  }
0xe3: {  	v8 =	vld.idx.msk [tilespmem:v9+s12+$0x0], $0xffff;
	_ =	sdelay $0x1  }
0xe4: {  	v9 =	vor.u32 v6, v10;
	_ =	sdelay $0x3  }
0xe5: {  	[tilespmem:s26+$0x10] =	vst v8  }
0xe6: {  	v9 =	vld.idx.msk [tilespmem:v9+s12+$0x0], $0xffff  }
.Ltmp7:
0xe7: {  	(pc) =	sbr.rel @p2 .LBB2_4-.Ltmp7, $2  }
0xe8: {  	v8 =	vor.u32 v7, v10;
	_ =	sdelay $0x2  }
0xe9: {  	v10 =	vmov s29;
	s29 =	sadd.s32 $0x1, s29  }
0xea: {  	_ =	sdelay $0x1  }
0xeb: {  	v10 =	vand.u32 $0x7F, v10  }
0xec: {  	[tilespmem:s26+$0x20] =	vst v9;
	v57 =	vbroadcast v10, $0x0  }
0xed: {  	v8 =	vld.idx.msk [tilespmem:v8+s12+$0x0], $0xffff  }
0xee: {  	v10 =	vor.u32 v0, v57;
	_ =	sdelay $0x3  }
0xef: {  	[tilespmem:s26+$0x30] =	vst v8  }
0xf0: {  	v8 =	vld.idx.msk [tilespmem:v10+s12+$0x0], $0xffff  }
0xf1: {  	v58 =	vor.u32 v1, v57;
	_ =	sdelay $0x2  }
0xf2: {  	s31 =	sadd.s32 $0x80, s26  }
0xf3: {  	[tilespmem:s31+$0xFFFFFFC0] =	vst v8  }
0xf4: {  	v8 =	vld.idx.msk [tilespmem:v58+s12+$0x0], $0xffff  }
0xf5: {  	v59 =	vor.u32 v2, v57;
	_ =	sdelay $0x3  }
0xf6: {  	[tilespmem:s31+$0xFFFFFFD0] =	vst v8  }
0xf7: {  	v8 =	vld.idx.msk [tilespmem:v59+s12+$0x0], $0xffff  }
0xf8: {  	v60 =	vor.u32 v3, v57;
	_ =	sdelay $0x3  }
0xf9: {  	[tilespmem:s31+$0xFFFFFFE0] =	vst v8  }
0xfa: {  	v8 =	vld.idx.msk [tilespmem:v60+s12+$0x0], $0xffff  }
0xfb: {  	v61 =	vor.u32 v4, v57;
	_ =	sdelay $0x3  }
0xfc: {  	[tilespmem:s31+$0xFFFFFFF0] =	vst v8  }
0xfd: {  	v8 =	vld.idx.msk [tilespmem:v61+s12+$0x0], $0xffff  }
0xfe: {  	v62 =	vor.u32 v5, v57;
	_ =	sdelay $0x3  }
0xff: {  	[tilespmem:s31+$0x0] =	vst v8  }
0x100: {  	v8 =	vld.idx.msk [tilespmem:v62+s12+$0x0], $0xffff  }
0x101: {  	v63 =	vor.u32 v6, v57;
	_ =	sdelay $0x3  }
0x102: {  	[tilespmem:s31+$0x10] =	vst v8  }
0x103: {  	v8 =	vld.idx.msk [tilespmem:v63+s12+$0x0], $0xffff  }
0x104: {  	v9 =	vor.u32 v7, v57;
	_ =	sdelay $0x3  }
0x105: {  	s25 =	sshrl.u32 s25, $0x6;
	[tilespmem:s31+$0x20] =	vst v8  }
0x106: {  	s25 =	smul.u32 $0xFA000, s25;
	v8 =	vld.idx.msk [tilespmem:v9+s12+$0x0], $0xffff  }
0x107: {  	s28 =	sshll.u32 s28, $0x11  }
0x108: {  	s24 =	sshll.u32 s24, $0xA;
	s25 =	sadd.s32 s28, s25  }
0x109: {  	s24 =	sor.u32 s24, s25  }
0x10a: {  	s24 =	sshrl.u32 s24, $0x3  }
0x10b: {  	s24 =	sadd.s32 s2, s24;
	[tilespmem:s31+$0x30] =	vst v8  }
0x10c: {  	[hbm4b:s24+s15] =	stream.strided.scatter [tilespmem:s17], [sflag:$0x3], $0x4000, s16, s15, $0x38;
	[tilespmem:$0x13200] =	vst v63  }
.LBB2_9:
0x10d: {  	p2 =	sne.s32 s21, $0x31  }
.Ltmp8:
0x10e: {  	_ = 	snop;
	(pc) =	sbr.rel @p2 .LBB2_11-.Ltmp8, $1  }
0x10f: {  	_ =	sdelay $0x3  }
.Ltmp9:
0x110: {  	(pc) =	sbr.rel .LBB2_12-.Ltmp9, $4  }
0x111: {  	_ = 	snop  }
0x112: {  	_ =	swait.ge [sflag:s18], $0x4000  }
0x113: {  	[sflag:s18] =	ssyncset.done $0x0  }
0x114: {  	[sflag:s18] =	ssyncadd.s32 $0xFFFFC000  }
.LBB2_11:
0x115: {  	s24 =	sshll.u32 s21, $0x8  }
0x116: {  	s24 =	sand.u32 $0x3FFFFF00, s24  }
.Ltmp10:
0x117: {  	s24 =	sadd.s32 $0x100, s24;
	(pc) =	sbr.rel @p1 .LBB2_13-.Ltmp10, $4  }
0x118: {  	[tilespmem:s12], [sflag:$0x1] =	stream.indirect.gather [hbm4b:s5+s11], $0x80, s24, s11, $0xb8;
	[tilespmem:$0x13200] =	vst v63  }
0x119: {  	_ =	swait.ge [sflag:s18], $0x4000  }
0x11a: {  	[sflag:s18] =	ssyncset.done $0x0  }
0x11b: {  	[sflag:s18] =	ssyncadd.s32 $0xFFFFC000  }
.LBB2_12:
0x11c: {  	s23 =	sadd.s32 s23, s8  }
0x11d: {  	s24 =	sshra.s32 s23, $0x1F  }
0x11e: {  	s25 =	sshrl.u32 s24, $0x1D  }
0x11f: {  	s23 =	sadd.s32 s25, s23  }
0x120: {  	s23 =	sshrl.u32 s23, $0x3  }
0x121: {  	s23 =	sadd.s32 s24, s23  }
0x122: {  	s23 =	sand.u32 $0x7, s23  }
0x123: {  	p1 =	seq.s32 s23, $0x7  }
0x124: {  	s23 =	simm.s32 @p1 $0x4  }
0x125: {  	_ =	swait.ge @p1 [sflag:s23], $0x3400  }
0x126: {  	[sflag:s23] =	ssyncset.done @p1 $0x0  }
0x127: {  	[sflag:s23] =	ssyncadd.s32 @p1 $0xFFFFCC00;
	s23 =	simm.s32 @!p1 $0x3  }
0x128: {  	_ =	swait.ge @!p1 [sflag:s23], $0x4000  }
0x129: {  	[sflag:s23] =	ssyncset.done @!p1 $0x0  }
0x12a: {  	[sflag:s23] =	ssyncadd.s32 @!p1 $0xFFFFC000  }
.LBB2_13:
0x12b: {  	s22 =	sadd.s32 s4, s22  }
0x12c: {  	s23 =	sshrl.u32 s22, $0x3  }
0x12d: {  	s24 =	sand.u32 $0x7, s23  }
0x12e: {  	s25 =	simm.s32 $0x0;
	p1 =	seq.s32 s24, $0x7  }
.Ltmp11:
0x12f: {  	v8 =	vmov s25;
	(pc) =	sbr.rel @!p1 .LBB2_14-.Ltmp11, $3  }
0x130: {  	v8 =	vand.u32 $0x7F, v8  }
0x131: {  	v8 =	vbroadcast v8, $0x0;
	_ =	sdelay $0x1  }
0x132: {  	s23 =	simm.s32 $0xF240;
	v9 =	vor.u32 v0, v8  }
0x133: {  	_ =	sdelay $0x3  }
0x134: {  	v9 =	vld.idx.msk [tilespmem:v9+s13+$0x0], $0xffff  }
0x135: {  	v10 =	vor.u32 v1, v8;
	_ =	sdelay $0x3  }
0x136: {  	[tilespmem:s23+$0xFFFFFFC0] =	vst v9  }
0x137: {  	v9 =	vld.idx.msk [tilespmem:v10+s13+$0x0], $0xffff  }
0x138: {  	v10 =	vor.u32 v2, v8;
	_ =	sdelay $0x3  }
0x139: {  	[tilespmem:s23+$0xFFFFFFD0] =	vst v9  }
0x13a: {  	v9 =	vld.idx.msk [tilespmem:v10+s13+$0x0], $0xffff  }
0x13b: {  	v10 =	vor.u32 v3, v8;
	_ =	sdelay $0x3  }
0x13c: {  	[tilespmem:s23+$0xFFFFFFE0] =	vst v9  }
0x13d: {  	v9 =	vld.idx.msk [tilespmem:v10+s13+$0x0], $0xffff  }
0x13e: {  	v10 =	vor.u32 v4, v8;
	_ =	sdelay $0x3  }
0x13f: {  	[tilespmem:s23+$0xFFFFFFF0] =	vst v9  }
0x140: {  	v9 =	vld.idx.msk [tilespmem:v10+s13+$0x0], $0xffff  }
0x141: {  	v10 =	vor.u32 v5, v8;
	_ =	sdelay $0x3  }
0x142: {  	[tilespmem:s23+$0x0] =	vst v9  }
0x143: {  	v9 =	vld.idx.msk [tilespmem:v10+s13+$0x0], $0xffff  }
0x144: {  	v10 =	vor.u32 v6, v8;
	_ =	sdelay $0x3  }
0x145: {  	[tilespmem:s23+$0x10] =	vst v9  }
0x146: {  	v9 =	vld.idx.msk [tilespmem:v10+s13+$0x0], $0xffff  }
0x147: {  	v8 =	vor.u32 v7, v8;
	_ =	sdelay $0x1  }
0x148: {  	s24 =	sadd.s32 $0x1, s25  }
0x149: {  	v10 =	vmov s24;
	s24 =	sadd.s32 $0x1, s24  }
.LBB2_18:
0x14a: {  	p1 =	sne.s32 s24, $0x67;
	v10 =	vand.u32 $0x7F, v10;
	[tilespmem:s23+$0x20] =	vst v9  }
0x14b: {  	v10 =	vbroadcast v10, $0x0;
	v8 =	vld.idx.msk [tilespmem:v8+s13+$0x0], $0xffff;
	_ =	sdelay $0x1  }
0x14c: {  	v9 =	vor.u32 v0, v10;
	_ =	sdelay $0x3  }
0x14d: {  	[tilespmem:s23+$0x30] =	vst v8  }
0x14e: {  	v8 =	vld.idx.msk [tilespmem:v9+s13+$0x0], $0xffff;
	_ =	sdelay $0x1  }
0x14f: {  	v9 =	vor.u32 v1, v10;
	_ =	sdelay $0x2  }
0x150: {  	s23 =	sadd.s32 $0x80, s23  }
0x151: {  	[tilespmem:s23+$0xFFFFFFC0] =	vst v8  }
0x152: {  	v8 =	vld.idx.msk [tilespmem:v9+s13+$0x0], $0xffff;
	_ =	sdelay $0x1  }
0x153: {  	v9 =	vor.u32 v2, v10;
	_ =	sdelay $0x3  }
0x154: {  	[tilespmem:s23+$0xFFFFFFD0] =	vst v8  }
0x155: {  	v8 =	vld.idx.msk [tilespmem:v9+s13+$0x0], $0xffff;
	_ =	sdelay $0x1  }
0x156: {  	v9 =	vor.u32 v3, v10;
	_ =	sdelay $0x3  }
0x157: {  	[tilespmem:s23+$0xFFFFFFE0] =	vst v8  }
0x158: {  	v8 =	vld.idx.msk [tilespmem:v9+s13+$0x0], $0xffff;
	_ =	sdelay $0x1  }
0x159: {  	v9 =	vor.u32 v4, v10;
	_ =	sdelay $0x3  }
0x15a: {  	[tilespmem:s23+$0xFFFFFFF0] =	vst v8  }
0x15b: {  	v8 =	vld.idx.msk [tilespmem:v9+s13+$0x0], $0xffff;
	_ =	sdelay $0x1  }
0x15c: {  	v9 =	vor.u32 v5, v10;
	_ =	sdelay $0x3  }
0x15d: {  	[tilespmem:s23+$0x0] =	vst v8  }
0x15e: {  	v8 =	vld.idx.msk [tilespmem:v9+s13+$0x0], $0xffff;
	_ =	sdelay $0x1  }
0x15f: {  	v9 =	vor.u32 v6, v10;
	_ =	sdelay $0x3  }
0x160: {  	[tilespmem:s23+$0x10] =	vst v8  }
0x161: {  	v9 =	vld.idx.msk [tilespmem:v9+s13+$0x0], $0xffff  }
.Ltmp12:
0x162: {  	(pc) =	sbr.rel @p1 .LBB2_18-.Ltmp12, $2  }
0x163: {  	v8 =	vor.u32 v7, v10;
	_ =	sdelay $0x2  }
0x164: {  	v10 =	vmov s24;
	s24 =	sadd.s32 $0x1, s24  }
0x165: {  	_ =	sdelay $0x1  }
0x166: {  	v10 =	vand.u32 $0x7F, v10  }
0x167: {  	[tilespmem:s23+$0x20] =	vst v9;
	v57 =	vbroadcast v10, $0x0  }
0x168: {  	v8 =	vld.idx.msk [tilespmem:v8+s13+$0x0], $0xffff  }
0x169: {  	v10 =	vor.u32 v0, v57;
	_ =	sdelay $0x3  }
0x16a: {  	[tilespmem:s23+$0x30] =	vst v8  }
0x16b: {  	v8 =	vld.idx.msk [tilespmem:v10+s13+$0x0], $0xffff  }
0x16c: {  	v58 =	vor.u32 v1, v57;
	_ =	sdelay $0x2  }
0x16d: {  	s30 =	sadd.s32 $0x80, s23  }
0x16e: {  	[tilespmem:s30+$0xFFFFFFC0] =	vst v8  }
0x16f: {  	v8 =	vld.idx.msk [tilespmem:v58+s13+$0x0], $0xffff  }
0x170: {  	v59 =	vor.u32 v2, v57;
	_ =	sdelay $0x3  }
0x171: {  	[tilespmem:s30+$0xFFFFFFD0] =	vst v8  }
0x172: {  	v8 =	vld.idx.msk [tilespmem:v59+s13+$0x0], $0xffff  }
0x173: {  	v60 =	vor.u32 v3, v57;
	_ =	sdelay $0x3  }
0x174: {  	[tilespmem:s30+$0xFFFFFFE0] =	vst v8  }
0x175: {  	v8 =	vld.idx.msk [tilespmem:v60+s13+$0x0], $0xffff  }
0x176: {  	v61 =	vor.u32 v4, v57;
	_ =	sdelay $0x3  }
0x177: {  	[tilespmem:s30+$0xFFFFFFF0] =	vst v8  }
0x178: {  	v8 =	vld.idx.msk [tilespmem:v61+s13+$0x0], $0xffff  }
0x179: {  	v62 =	vor.u32 v5, v57;
	_ =	sdelay $0x3  }
0x17a: {  	[tilespmem:s30+$0x0] =	vst v8  }
0x17b: {  	v8 =	vld.idx.msk [tilespmem:v62+s13+$0x0], $0xffff  }
0x17c: {  	v63 =	vor.u32 v6, v57;
	_ =	sdelay $0x3  }
0x17d: {  	[tilespmem:s30+$0x10] =	vst v8  }
0x17e: {  	v8 =	vld.idx.msk [tilespmem:v63+s13+$0x0], $0xffff  }
0x17f: {  	v9 =	vor.u32 v7, v57;
	_ =	sdelay $0x3  }
0x180: {  	s24 =	sshrl.u32 s22, $0x6;
	[tilespmem:s30+$0x20] =	vst v8  }
0x181: {  	s31 =	sshll.u32 s22, $0xA;
	s24 =	smul.u32 $0xFA000, s24;
	v8 =	vld.idx.msk [tilespmem:v9+s13+$0x0], $0xffff  }
0x182: {  	s22 =	sand.u32 $0x1C00, s31  }
.Ltmp13:
0x183: {  	s22 =	sor.u32 s22, s24;
	(pc) =	sbr.rel .LBB2_20-.Ltmp13, $4  }
0x184: {  	s22 =	sadd.s32 $0xE0000, s22  }
0x185: {  	s22 =	sshrl.u32 s22, $0x3  }
0x186: {  	s22 =	sadd.s32 s2, s22;
	[tilespmem:s30+$0x30] =	vst v8  }
0x187: {  	[hbm4b:s22+s15] =	stream.strided.scatter [tilespmem:s19], [sflag:$0x4], $0x3400, s16, s15, $0x38;
	[tilespmem:$0x13200] =	vst v63  }
.LBB2_14:
0x188: {  	_ =	sdelay $0x3  }
0x189: {  	v9 =	vld.idx.msk [tilespmem:v9+s13+$0x0], $0xffff  }
0x18a: {  	v10 =	vor.u32 v1, v8;
	_ =	sdelay $0x3  }
0x18b: {  	[tilespmem:s23+$0xFFFFFFC0] =	vst v9  }
0x18c: {  	v9 =	vld.idx.msk [tilespmem:v10+s13+$0x0], $0xffff  }
0x18d: {  	v10 =	vor.u32 v2, v8;
	_ =	sdelay $0x3  }
0x18e: {  	[tilespmem:s23+$0xFFFFFFD0] =	vst v9  }
0x18f: {  	v9 =	vld.idx.msk [tilespmem:v10+s13+$0x0], $0xffff  }
0x190: {  	v10 =	vor.u32 v3, v8;
	_ =	sdelay $0x3  }
0x191: {  	[tilespmem:s23+$0xFFFFFFE0] =	vst v9  }
0x192: {  	v9 =	vld.idx.msk [tilespmem:v10+s13+$0x0], $0xffff  }
0x193: {  	v10 =	vor.u32 v4, v8;
	_ =	sdelay $0x3  }
0x194: {  	[tilespmem:s23+$0xFFFFFFF0] =	vst v9  }
0x195: {  	v9 =	vld.idx.msk [tilespmem:v10+s13+$0x0], $0xffff  }
0x196: {  	v10 =	vor.u32 v5, v8;
	_ =	sdelay $0x3  }
0x197: {  	[tilespmem:s23+$0x0] =	vst v9  }
0x198: {  	v9 =	vld.idx.msk [tilespmem:v10+s13+$0x0], $0xffff  }
0x199: {  	v10 =	vor.u32 v6, v8;
	_ =	sdelay $0x3  }
0x19a: {  	[tilespmem:s23+$0x10] =	vst v9  }
0x19b: {  	v9 =	vld.idx.msk [tilespmem:v10+s13+$0x0], $0xffff  }
0x19c: {  	v8 =	vor.u32 v7, v8;
	_ =	sdelay $0x1  }
0x19d: {  	s25 =	sadd.s32 $0x1, s25  }
0x19e: {  	v10 =	vmov s25;
	s25 =	sadd.s32 $0x1, s25  }
.LBB2_15:
0x19f: {  	p1 =	sne.s32 s25, $0x7F;
	v10 =	vand.u32 $0x7F, v10;
	[tilespmem:s23+$0x20] =	vst v9  }
0x1a0: {  	v10 =	vbroadcast v10, $0x0;
	v8 =	vld.idx.msk [tilespmem:v8+s13+$0x0], $0xffff;
	_ =	sdelay $0x1  }
0x1a1: {  	v9 =	vor.u32 v0, v10;
	_ =	sdelay $0x3  }
0x1a2: {  	[tilespmem:s23+$0x30] =	vst v8  }
0x1a3: {  	v8 =	vld.idx.msk [tilespmem:v9+s13+$0x0], $0xffff;
	_ =	sdelay $0x1  }
0x1a4: {  	v9 =	vor.u32 v1, v10;
	_ =	sdelay $0x2  }
0x1a5: {  	s23 =	sadd.s32 $0x80, s23  }
0x1a6: {  	[tilespmem:s23+$0xFFFFFFC0] =	vst v8  }
0x1a7: {  	v8 =	vld.idx.msk [tilespmem:v9+s13+$0x0], $0xffff;
	_ =	sdelay $0x1  }
0x1a8: {  	v9 =	vor.u32 v2, v10;
	_ =	sdelay $0x3  }
0x1a9: {  	[tilespmem:s23+$0xFFFFFFD0] =	vst v8  }
0x1aa: {  	v8 =	vld.idx.msk [tilespmem:v9+s13+$0x0], $0xffff;
	_ =	sdelay $0x1  }
0x1ab: {  	v9 =	vor.u32 v3, v10;
	_ =	sdelay $0x3  }
0x1ac: {  	[tilespmem:s23+$0xFFFFFFE0] =	vst v8  }
0x1ad: {  	v8 =	vld.idx.msk [tilespmem:v9+s13+$0x0], $0xffff;
	_ =	sdelay $0x1  }
0x1ae: {  	v9 =	vor.u32 v4, v10;
	_ =	sdelay $0x3  }
0x1af: {  	[tilespmem:s23+$0xFFFFFFF0] =	vst v8  }
0x1b0: {  	v8 =	vld.idx.msk [tilespmem:v9+s13+$0x0], $0xffff;
	_ =	sdelay $0x1  }
0x1b1: {  	v9 =	vor.u32 v5, v10;
	_ =	sdelay $0x3  }
0x1b2: {  	[tilespmem:s23+$0x0] =	vst v8  }
0x1b3: {  	v8 =	vld.idx.msk [tilespmem:v9+s13+$0x0], $0xffff;
	_ =	sdelay $0x1  }
0x1b4: {  	v9 =	vor.u32 v6, v10;
	_ =	sdelay $0x3  }
0x1b5: {  	[tilespmem:s23+$0x10] =	vst v8  }
0x1b6: {  	v9 =	vld.idx.msk [tilespmem:v9+s13+$0x0], $0xffff  }
.Ltmp14:
0x1b7: {  	(pc) =	sbr.rel @p1 .LBB2_15-.Ltmp14, $2  }
0x1b8: {  	v8 =	vor.u32 v7, v10;
	_ =	sdelay $0x2  }
0x1b9: {  	v10 =	vmov s25;
	s25 =	sadd.s32 $0x1, s25  }
.Ltmp15:
0x1ba: {  	_ = 	snop;
	(pc) =	sbr.rel .LBB2_16-.Ltmp15, $1  }
0x1bb: {  	_ =	sdelay $0x3  }
.LBB2_22:
0x1bc: {  	_ =	sfence.sel $0x180000  }
0x1bd: {  	[bflag:$0x0] =	sbarrier.arrive $0xFFFF  }
0x1be: {  	p0 =	sne.s32 s0, $0x0;
	_ =	strace $0x90000047  }
0x1bf: {  	s0 =	sadd.s32 @!p0 $0x100000, s1;
	[bflag:$0x2] =	sbarrier.arrive $0xFFFF  }
0x1c0: {  	[sflag:s0] =	ssyncadd.tile.s32 @!p0 $0x1;
	_ =	shalt  }
.Lfunc_end2:
_tile_overlayer_lowered:
.L_overlay_start_2:
0x1c1: {  	(tag) =	ssettag $0x2  }
0x1c2: {  	s0 =	rddreg [dreg:$0x0];
	s2 =	stileid.u32  }
0x1c3: {  	s1 =	rddreg [dreg:$0x1];
	p0 =	sne.s32 s2, $0x0  }
0x1c4: {  	s3 =	rddreg [dreg:$0x2];
	[bflag:$0x3] =	sbarrier.arrive $0xFFFF;
	s2 =	simm.s32 @!p0 $0x1C05  }
0x1c5: {  	[timem:s3], [sflag:s2] =	dma.local @!p0 [hbm:s0], s1  }
0x1c6: {  	s0 =	simm.s32 @!p0 $0x5  }
0x1c7: {  	_ =	swait.ge @!p0 [sflag:s0], s1  }
0x1c8: {  	s1 =	ssub.s32 @!p0 $0x0, s1;
	[sflag:s0] =	ssyncset.done @!p0 $0x0  }
0x1c9: {  	[sflag:s0] =	ssyncadd.s32 @!p0 s1  }
0x1ca: {  	[bflag:$0x3] =	sbarrier.arrive $0xFFFF  }
0x1cb: {  	_ =	shalt  }

</sc_bundles>
